<compile_context>
chip_gen: v7x
topology: tpu7x:2x2x1
jax: 0.10.2.dev20260603
libtpu: 0.0.44.dev20260713+nightly
codegen_flags: <defaults>
</compile_context>

<pallas_src>
import functools

import jax
import jax.numpy as jnp
from jax import lax
from jax.experimental import pallas as pl
from jax.experimental.pallas import tpu as pltpu
from jax.experimental.pallas import tpu_sc as plsc

BATCH = 4096
HIST = 200
DIM = 32

_info = plsc.get_sparse_core_info()
NC, NS = _info.num_cores, _info.num_subcores
NW = NC * NS
TOTAL = BATCH * HIST
PER_W = TOTAL // NW
CHUNK = 128
G = PER_W // CHUNK


SUP = 10
NSUP = G // SUP
ROWS = SUP * CHUNK


def _make_kernel(vocab_rows):
    mesh = plsc.VectorSubcoreMesh(core_axis_name="c", subcore_axis_name="s")

    @functools.partial(
        pl.kernel,
        out_type=jax.ShapeDtypeStruct((NW, NSUP, ROWS, DIM), jnp.float32),
        mesh=mesh,
        scratch_types=[
            pltpu.VMEM((G, CHUNK), jnp.int32),
            pltpu.VMEM((ROWS, DIM), jnp.float32),
            pltpu.VMEM((ROWS, DIM), jnp.float32),
            pltpu.SemaphoreType.DMA,
        ],
        compiler_params=pltpu.CompilerParams(use_tc_tiling_on_sc=False),
    )
    def gather_kernel(idx_hbm, table_hbm, out_hbm, idx_v, buf0, buf1, gsem):
        wid = lax.axis_index("s") * NC + lax.axis_index("c")
        pltpu.sync_copy(idx_hbm.at[wid], idx_v)

        def fire(s, buf):
            for k in range(SUP):
                pltpu.async_copy(
                    table_hbm.at[idx_v.at[s * SUP + k]],
                    buf.at[pl.ds(k * CHUNK, CHUNK)], gsem)

        def drain(s, buf):
            for k in range(SUP):
                pltpu.make_async_copy(
                    table_hbm.at[idx_v.at[s * SUP + k]],
                    buf.at[pl.ds(k * CHUNK, CHUNK)], gsem).wait()

        fire(0, buf0)
        fire(1, buf1)

        def body(i, carry):
            s0 = 2 * i
            drain(s0, buf0)
            pltpu.sync_copy(buf0, out_hbm.at[wid, s0])
            fire(s0 + 2, buf0)
            drain(s0 + 1, buf1)
            pltpu.sync_copy(buf1, out_hbm.at[wid, s0 + 1])
            fire(s0 + 3, buf1)
            return carry

        lax.fori_loop(0, NSUP // 2 - 1, body, 0)

        drain(NSUP - 2, buf0)
        pltpu.sync_copy(buf0, out_hbm.at[wid, NSUP - 2])
        drain(NSUP - 1, buf1)
        pltpu.sync_copy(buf1, out_hbm.at[wid, NSUP - 1])

    return gather_kernel


def kernel(indices, table):
    idx = indices.astype(jnp.int32).reshape(NW, G, CHUNK)
    out = _make_kernel(table.shape[0])(idx, table)
    return out.reshape(BATCH, HIST, DIM)

# --- scband reference (transcript-rebuilt; emitter-appended) ---
"""Pipeline reference for scband-text-rnn-37185826849429 (READ-ONLY COPY).

The authoritative reference and input builder live on the scoring server;
editing this copy changes nothing except your own understanding.
"""

import jax, jax.numpy as jnp
import numpy as np

VOCAB_SIZE = 1000000
EMBEDDING_DIM = 32
BATCH = 4096
HIST_LEN = 200

def setup_inputs(seed: int = 0) -> dict:
    key = jax.random.key(seed)
    k_idx, k_tab = jax.random.split(key)
    indices = jax.random.randint(k_idx, (BATCH, HIST_LEN), 0, VOCAB_SIZE, dtype=jnp.int64 if jax.config.jax_enable_x64 else jnp.int32)
    # Embedding table sized VOCAB_SIZE + 1 (mask_zero=True reserves index 0)
    table = jax.random.normal(k_tab, (VOCAB_SIZE + 1, EMBEDDING_DIM), dtype=jnp.float32) * 0.05
    return {"indices": indices, "table": table}

def reference(indices, table):
    # Faithful translation of tf.keras.layers.Embedding(VOCAB_SIZE+1, EMBEDDING_DIM, mask_zero=True)
    # Forward output is the gathered embeddings; the mask (indices != 0) only affects
    # downstream layers and is not part of the tensor output here.
    out = jnp.take(table, indices, axis=0)
    return out

if __name__ == "__main__":
    import jax
    _d = setup_inputs()
    print(jax.jit(kernel)(*tuple(_d.values())))

</pallas_src>

<mosaic_0001>
#map = affine_map<(d0, d1) -> (0, 0, 0)>
#map1 = affine_map<(d0, d1) -> (0, 0)>
#map2 = affine_map<(d0, d1) -> (0, 0, 0, 0)>
module attributes {stable_mosaic.version = 14 : i64} {
  func.func @gather_kernel(%arg0: i32, %arg1: i32, %arg2: memref<32x200x128xi32, #tpu.memory_space<hbm>>, %arg3: memref<1000001x32xf32, #tpu.memory_space<hbm>>, %arg4: memref<32x20x1280x32xf32, #tpu.memory_space<hbm>>, %arg5: memref<200x128xi32, #tpu.memory_space<vmem>>, %arg6: memref<1280x32xf32, #tpu.memory_space<vmem>>, %arg7: memref<1280x32xf32, #tpu.memory_space<vmem>>, %arg8: memref<!tpu.dma_semaphore, #tpu.memory_space<semaphore_mem>>) attributes {dimension_semantics = [#tpu.dimension_semantics<core_parallel>, #tpu.dimension_semantics<subcore_parallel>], iteration_bounds = array<i64: 2, 16>, scalar_prefetch = 0 : i64, scratch_operands = 4 : i64, tpu.core_type = #tpu.core_type<sc_vector_subcore>, window_params = [{transform_indices = #map}, {transform_indices = #map1}, {transform_indices = #map2}]} {
    %mul3A = arith.constant 2 : i32
    %mul3A_0 = arith.muli %arg1, %mul3A : i32
    %add3A = arith.addi %mul3A_0, %arg0 : i32
    "tpu.region"() ({
      %run_scoped3A_405 = tpu.sem_alloc : memref<!tpu.dma_semaphore, #tpu.memory_space<semaphore_mem>>
      %dma_start3A_406 = arith.constant 0 : i32
      %dma_start3A_407 = arith.constant 0 : i32
      %dma_start3A_408 = tpu.memref_slice %arg2[%add3A, %dma_start3A_406, %dma_start3A_407] : memref<32x200x128xi32, #tpu.memory_space<hbm>> -> memref<1x200x128xi32, #tpu.memory_space<hbm>>
      %dma_start3A_409 = tpu.memref_squeeze %dma_start3A_408 : memref<1x200x128xi32, #tpu.memory_space<hbm>> -> memref<200x128xi32, #tpu.memory_space<hbm>>
      %dma_start3A_410 = arith.constant 0 : i32
      %dma_start3A_411 = arith.constant 0 : i32
      %dma_start3A_412 = tpu.memref_slice %arg2[%add3A, %dma_start3A_410, %dma_start3A_411] : memref<32x200x128xi32, #tpu.memory_space<hbm>> -> memref<1x200x128xi32, #tpu.memory_space<hbm>>
      %dma_start3A_413 = tpu.memref_squeeze %dma_start3A_412 : memref<1x200x128xi32, #tpu.memory_space<hbm>> -> memref<200x128xi32, #tpu.memory_space<hbm>>
      tpu.enqueue_dma source(%dma_start3A_413 : memref<200x128xi32, #tpu.memory_space<hbm>>) target(%arg5 : memref<200x128xi32, #tpu.memory_space<vmem>>) target_semaphore(%run_scoped3A_405 : memref<!tpu.dma_semaphore, #tpu.memory_space<semaphore_mem>>)
      %dma_wait3A_414 = arith.constant 0 : i32
      %dma_wait3A_415 = arith.constant 0 : i32
      %dma_wait3A_416 = tpu.memref_slice %arg2[%add3A, %dma_wait3A_414, %dma_wait3A_415] : memref<32x200x128xi32, #tpu.memory_space<hbm>> -> memref<1x200x128xi32, #tpu.memory_space<hbm>>
      %dma_wait3A_417 = tpu.memref_squeeze %dma_wait3A_416 : memref<1x200x128xi32, #tpu.memory_space<hbm>> -> memref<200x128xi32, #tpu.memory_space<hbm>>
      %dma_wait3A_418 = arith.constant 0 : i32
      %dma_wait3A_419 = arith.constant 0 : i32
      %dma_wait3A_420 = tpu.memref_slice %arg2[%add3A, %dma_wait3A_418, %dma_wait3A_419] : memref<32x200x128xi32, #tpu.memory_space<hbm>> -> memref<1x200x128xi32, #tpu.memory_space<hbm>>
      %dma_wait3A_421 = tpu.memref_squeeze %dma_wait3A_420 : memref<1x200x128xi32, #tpu.memory_space<hbm>> -> memref<200x128xi32, #tpu.memory_space<hbm>>
      tpu.wait_dma2 semaphore(%run_scoped3A_405 : memref<!tpu.dma_semaphore, #tpu.memory_space<semaphore_mem>>) src(%dma_wait3A_421 : memref<200x128xi32, #tpu.memory_space<hbm>>) dst(%arg5 : memref<200x128xi32, #tpu.memory_space<vmem>>)
      tpu.yield
    }) : () -> ()
    %dma_start3A = arith.constant 0 : i32
    %dma_start3A_1 = arith.constant 0 : i32
    %dma_start3A_2 = arith.constant 0 : i32
    %dma_start3A_3 = tpu.memref_slice %arg6[%dma_start3A_1, %dma_start3A_2] : memref<1280x32xf32, #tpu.memory_space<vmem>> -> memref<128x32xf32, #tpu.memory_space<vmem>>
    %dma_start3A_4 = arith.constant 0 : i32
    %dma_start3A_5 = tpu.memref_slice %arg5[%dma_start3A, %dma_start3A_4] : memref<200x128xi32, #tpu.memory_space<vmem>> -> memref<1x128xi32, #tpu.memory_space<vmem>>
    %dma_start3A_6 = tpu.memref_squeeze %dma_start3A_5 : memref<1x128xi32, #tpu.memory_space<vmem>> -> memref<128xi32, #tpu.memory_space<vmem>>
    %dma_start3A_7 = arith.constant 0 : i32
    %dma_start3A_8 = arith.constant 0 : i32
    %dma_start3A_9 = tpu.memref_slice %arg3[%dma_start3A_7, %dma_start3A_8] : memref<1000001x32xf32, #tpu.memory_space<hbm>> -> memref<1000001x32xf32, #tpu.memory_space<hbm>>
    tpu.enqueue_indirect_dma source(%dma_start3A_9 : memref<1000001x32xf32, #tpu.memory_space<hbm>>) target(%dma_start3A_3 : memref<128x32xf32, #tpu.memory_space<vmem>>) offsets(%dma_start3A_6 : memref<128xi32, #tpu.memory_space<vmem>>) semaphore(%arg8 : memref<!tpu.dma_semaphore, #tpu.memory_space<semaphore_mem>>)
    %dma_start3A_10 = arith.constant 1 : i32
    %dma_start3A_11 = arith.constant 128 : i32
    %dma_start3A_12 = arith.constant 0 : i32
    %dma_start3A_13 = tpu.memref_slice %arg6[%dma_start3A_11, %dma_start3A_12] : memref<1280x32xf32, #tpu.memory_space<vmem>> -> memref<128x32xf32, #tpu.memory_space<vmem>>
    %dma_start3A_14 = arith.constant 0 : i32
    %dma_start3A_15 = tpu.memref_slice %arg5[%dma_start3A_10, %dma_start3A_14] : memref<200x128xi32, #tpu.memory_space<vmem>> -> memref<1x128xi32, #tpu.memory_space<vmem>>
    %dma_start3A_16 = tpu.memref_squeeze %dma_start3A_15 : memref<1x128xi32, #tpu.memory_space<vmem>> -> memref<128xi32, #tpu.memory_space<vmem>>
    %dma_start3A_17 = arith.constant 0 : i32
    %dma_start3A_18 = arith.constant 0 : i32
    %dma_start3A_19 = tpu.memref_slice %arg3[%dma_start3A_17, %dma_start3A_18] : memref<1000001x32xf32, #tpu.memory_space<hbm>> -> memref<1000001x32xf32, #tpu.memory_space<hbm>>
    tpu.enqueue_indirect_dma source(%dma_start3A_19 : memref<1000001x32xf32, #tpu.memory_space<hbm>>) target(%dma_start3A_13 : memref<128x32xf32, #tpu.memory_space<vmem>>) offsets(%dma_start3A_16 : memref<128xi32, #tpu.memory_space<vmem>>) semaphore(%arg8 : memref<!tpu.dma_semaphore, #tpu.memory_space<semaphore_mem>>)
    %dma_start3A_20 = arith.constant 2 : i32
    %dma_start3A_21 = arith.constant 256 : i32
    %dma_start3A_22 = arith.constant 0 : i32
    %dma_start3A_23 = tpu.memref_slice %arg6[%dma_start3A_21, %dma_start3A_22] : memref<1280x32xf32, #tpu.memory_space<vmem>> -> memref<128x32xf32, #tpu.memory_space<vmem>>
    %dma_start3A_24 = arith.constant 0 : i32
    %dma_start3A_25 = tpu.memref_slice %arg5[%dma_start3A_20, %dma_start3A_24] : memref<200x128xi32, #tpu.memory_space<vmem>> -> memref<1x128xi32, #tpu.memory_space<vmem>>
    %dma_start3A_26 = tpu.memref_squeeze %dma_start3A_25 : memref<1x128xi32, #tpu.memory_space<vmem>> -> memref<128xi32, #tpu.memory_space<vmem>>
    %dma_start3A_27 = arith.constant 0 : i32
    %dma_start3A_28 = arith.constant 0 : i32
    %dma_start3A_29 = tpu.memref_slice %arg3[%dma_start3A_27, %dma_start3A_28] : memref<1000001x32xf32, #tpu.memory_space<hbm>> -> memref<1000001x32xf32, #tpu.memory_space<hbm>>
    tpu.enqueue_indirect_dma source(%dma_start3A_29 : memref<1000001x32xf32, #tpu.memory_space<hbm>>) target(%dma_start3A_23 : memref<128x32xf32, #tpu.memory_space<vmem>>) offsets(%dma_start3A_26 : memref<128xi32, #tpu.memory_space<vmem>>) semaphore(%arg8 : memref<!tpu.dma_semaphore, #tpu.memory_space<semaphore_mem>>)
    %dma_start3A_30 = arith.constant 3 : i32
    %dma_start3A_31 = arith.constant 384 : i32
    %dma_start3A_32 = arith.constant 0 : i32
    %dma_start3A_33 = tpu.memref_slice %arg6[%dma_start3A_31, %dma_start3A_32] : memref<1280x32xf32, #tpu.memory_space<vmem>> -> memref<128x32xf32, #tpu.memory_space<vmem>>
    %dma_start3A_34 = arith.constant 0 : i32
    %dma_start3A_35 = tpu.memref_slice %arg5[%dma_start3A_30, %dma_start3A_34] : memref<200x128xi32, #tpu.memory_space<vmem>> -> memref<1x128xi32, #tpu.memory_space<vmem>>
    %dma_start3A_36 = tpu.memref_squeeze %dma_start3A_35 : memref<1x128xi32, #tpu.memory_space<vmem>> -> memref<128xi32, #tpu.memory_space<vmem>>
    %dma_start3A_37 = arith.constant 0 : i32
    %dma_start3A_38 = arith.constant 0 : i32
    %dma_start3A_39 = tpu.memref_slice %arg3[%dma_start3A_37, %dma_start3A_38] : memref<1000001x32xf32, #tpu.memory_space<hbm>> -> memref<1000001x32xf32, #tpu.memory_space<hbm>>
    tpu.enqueue_indirect_dma source(%dma_start3A_39 : memref<1000001x32xf32, #tpu.memory_space<hbm>>) target(%dma_start3A_33 : memref<128x32xf32, #tpu.memory_space<vmem>>) offsets(%dma_start3A_36 : memref<128xi32, #tpu.memory_space<vmem>>) semaphore(%arg8 : memref<!tpu.dma_semaphore, #tpu.memory_space<semaphore_mem>>)
    %dma_start3A_40 = arith.constant 4 : i32
    %dma_start3A_41 = arith.constant 512 : i32
    %dma_start3A_42 = arith.constant 0 : i32
    %dma_start3A_43 = tpu.memref_slice %arg6[%dma_start3A_41, %dma_start3A_42] : memref<1280x32xf32, #tpu.memory_space<vmem>> -> memref<128x32xf32, #tpu.memory_space<vmem>>
    %dma_start3A_44 = arith.constant 0 : i32
    %dma_start3A_45 = tpu.memref_slice %arg5[%dma_start3A_40, %dma_start3A_44] : memref<200x128xi32, #tpu.memory_space<vmem>> -> memref<1x128xi32, #tpu.memory_space<vmem>>
    %dma_start3A_46 = tpu.memref_squeeze %dma_start3A_45 : memref<1x128xi32, #tpu.memory_space<vmem>> -> memref<128xi32, #tpu.memory_space<vmem>>
    %dma_start3A_47 = arith.constant 0 : i32
    %dma_start3A_48 = arith.constant 0 : i32
    %dma_start3A_49 = tpu.memref_slice %arg3[%dma_start3A_47, %dma_start3A_48] : memref<1000001x32xf32, #tpu.memory_space<hbm>> -> memref<1000001x32xf32, #tpu.memory_space<hbm>>
    tpu.enqueue_indirect_dma source(%dma_start3A_49 : memref<1000001x32xf32, #tpu.memory_space<hbm>>) target(%dma_start3A_43 : memref<128x32xf32, #tpu.memory_space<vmem>>) offsets(%dma_start3A_46 : memref<128xi32, #tpu.memory_space<vmem>>) semaphore(%arg8 : memref<!tpu.dma_semaphore, #tpu.memory_space<semaphore_mem>>)
    %dma_start3A_50 = arith.constant 5 : i32
    %dma_start3A_51 = arith.constant 640 : i32
    %dma_start3A_52 = arith.constant 0 : i32
    %dma_start3A_53 = tpu.memref_slice %arg6[%dma_start3A_51, %dma_start3A_52] : memref<1280x32xf32, #tpu.memory_space<vmem>> -> memref<128x32xf32, #tpu.memory_space<vmem>>
    %dma_start3A_54 = arith.constant 0 : i32
    %dma_start3A_55 = tpu.memref_slice %arg5[%dma_start3A_50, %dma_start3A_54] : memref<200x128xi32, #tpu.memory_space<vmem>> -> memref<1x128xi32, #tpu.memory_space<vmem>>
    %dma_start3A_56 = tpu.memref_squeeze %dma_start3A_55 : memref<1x128xi32, #tpu.memory_space<vmem>> -> memref<128xi32, #tpu.memory_space<vmem>>
    %dma_start3A_57 = arith.constant 0 : i32
    %dma_start3A_58 = arith.constant 0 : i32
    %dma_start3A_59 = tpu.memref_slice %arg3[%dma_start3A_57, %dma_start3A_58] : memref<1000001x32xf32, #tpu.memory_space<hbm>> -> memref<1000001x32xf32, #tpu.memory_space<hbm>>
    tpu.enqueue_indirect_dma source(%dma_start3A_59 : memref<1000001x32xf32, #tpu.memory_space<hbm>>) target(%dma_start3A_53 : memref<128x32xf32, #tpu.memory_space<vmem>>) offsets(%dma_start3A_56 : memref<128xi32, #tpu.memory_space<vmem>>) semaphore(%arg8 : memref<!tpu.dma_semaphore, #tpu.memory_space<semaphore_mem>>)
    %dma_start3A_60 = arith.constant 6 : i32
    %dma_start3A_61 = arith.constant 768 : i32
    %dma_start3A_62 = arith.constant 0 : i32
    %dma_start3A_63 = tpu.memref_slice %arg6[%dma_start3A_61, %dma_start3A_62] : memref<1280x32xf32, #tpu.memory_space<vmem>> -> memref<128x32xf32, #tpu.memory_space<vmem>>
    %dma_start3A_64 = arith.constant 0 : i32
    %dma_start3A_65 = tpu.memref_slice %arg5[%dma_start3A_60, %dma_start3A_64] : memref<200x128xi32, #tpu.memory_space<vmem>> -> memref<1x128xi32, #tpu.memory_space<vmem>>
    %dma_start3A_66 = tpu.memref_squeeze %dma_start3A_65 : memref<1x128xi32, #tpu.memory_space<vmem>> -> memref<128xi32, #tpu.memory_space<vmem>>
    %dma_start3A_67 = arith.constant 0 : i32
    %dma_start3A_68 = arith.constant 0 : i32
    %dma_start3A_69 = tpu.memref_slice %arg3[%dma_start3A_67, %dma_start3A_68] : memref<1000001x32xf32, #tpu.memory_space<hbm>> -> memref<1000001x32xf32, #tpu.memory_space<hbm>>
    tpu.enqueue_indirect_dma source(%dma_start3A_69 : memref<1000001x32xf32, #tpu.memory_space<hbm>>) target(%dma_start3A_63 : memref<128x32xf32, #tpu.memory_space<vmem>>) offsets(%dma_start3A_66 : memref<128xi32, #tpu.memory_space<vmem>>) semaphore(%arg8 : memref<!tpu.dma_semaphore, #tpu.memory_space<semaphore_mem>>)
    %dma_start3A_70 = arith.constant 7 : i32
    %dma_start3A_71 = arith.constant 896 : i32
    %dma_start3A_72 = arith.constant 0 : i32
    %dma_start3A_73 = tpu.memref_slice %arg6[%dma_start3A_71, %dma_start3A_72] : memref<1280x32xf32, #tpu.memory_space<vmem>> -> memref<128x32xf32, #tpu.memory_space<vmem>>
    %dma_start3A_74 = arith.constant 0 : i32
    %dma_start3A_75 = tpu.memref_slice %arg5[%dma_start3A_70, %dma_start3A_74] : memref<200x128xi32, #tpu.memory_space<vmem>> -> memref<1x128xi32, #tpu.memory_space<vmem>>
    %dma_start3A_76 = tpu.memref_squeeze %dma_start3A_75 : memref<1x128xi32, #tpu.memory_space<vmem>> -> memref<128xi32, #tpu.memory_space<vmem>>
    %dma_start3A_77 = arith.constant 0 : i32
    %dma_start3A_78 = arith.constant 0 : i32
    %dma_start3A_79 = tpu.memref_slice %arg3[%dma_start3A_77, %dma_start3A_78] : memref<1000001x32xf32, #tpu.memory_space<hbm>> -> memref<1000001x32xf32, #tpu.memory_space<hbm>>
    tpu.enqueue_indirect_dma source(%dma_start3A_79 : memref<1000001x32xf32, #tpu.memory_space<hbm>>) target(%dma_start3A_73 : memref<128x32xf32, #tpu.memory_space<vmem>>) offsets(%dma_start3A_76 : memref<128xi32, #tpu.memory_space<vmem>>) semaphore(%arg8 : memref<!tpu.dma_semaphore, #tpu.memory_space<semaphore_mem>>)
    %dma_start3A_80 = arith.constant 8 : i32
    %dma_start3A_81 = arith.constant 1024 : i32
    %dma_start3A_82 = arith.constant 0 : i32
    %dma_start3A_83 = tpu.memref_slice %arg6[%dma_start3A_81, %dma_start3A_82] : memref<1280x32xf32, #tpu.memory_space<vmem>> -> memref<128x32xf32, #tpu.memory_space<vmem>>
    %dma_start3A_84 = arith.constant 0 : i32
    %dma_start3A_85 = tpu.memref_slice %arg5[%dma_start3A_80, %dma_start3A_84] : memref<200x128xi32, #tpu.memory_space<vmem>> -> memref<1x128xi32, #tpu.memory_space<vmem>>
    %dma_start3A_86 = tpu.memref_squeeze %dma_start3A_85 : memref<1x128xi32, #tpu.memory_space<vmem>> -> memref<128xi32, #tpu.memory_space<vmem>>
    %dma_start3A_87 = arith.constant 0 : i32
    %dma_start3A_88 = arith.constant 0 : i32
    %dma_start3A_89 = tpu.memref_slice %arg3[%dma_start3A_87, %dma_start3A_88] : memref<1000001x32xf32, #tpu.memory_space<hbm>> -> memref<1000001x32xf32, #tpu.memory_space<hbm>>
    tpu.enqueue_indirect_dma source(%dma_start3A_89 : memref<1000001x32xf32, #tpu.memory_space<hbm>>) target(%dma_start3A_83 : memref<128x32xf32, #tpu.memory_space<vmem>>) offsets(%dma_start3A_86 : memref<128xi32, #tpu.memory_space<vmem>>) semaphore(%arg8 : memref<!tpu.dma_semaphore, #tpu.memory_space<semaphore_mem>>)
    %dma_start3A_90 = arith.constant 9 : i32
    %dma_start3A_91 = arith.constant 1152 : i32
    %dma_start3A_92 = arith.constant 0 : i32
    %dma_start3A_93 = tpu.memref_slice %arg6[%dma_start3A_91, %dma_start3A_92] : memref<1280x32xf32, #tpu.memory_space<vmem>> -> memref<128x32xf32, #tpu.memory_space<vmem>>
    %dma_start3A_94 = arith.constant 0 : i32
    %dma_start3A_95 = tpu.memref_slice %arg5[%dma_start3A_90, %dma_start3A_94] : memref<200x128xi32, #tpu.memory_space<vmem>> -> memref<1x128xi32, #tpu.memory_space<vmem>>
    %dma_start3A_96 = tpu.memref_squeeze %dma_start3A_95 : memref<1x128xi32, #tpu.memory_space<vmem>> -> memref<128xi32, #tpu.memory_space<vmem>>
    %dma_start3A_97 = arith.constant 0 : i32
    %dma_start3A_98 = arith.constant 0 : i32
    %dma_start3A_99 = tpu.memref_slice %arg3[%dma_start3A_97, %dma_start3A_98] : memref<1000001x32xf32, #tpu.memory_space<hbm>> -> memref<1000001x32xf32, #tpu.memory_space<hbm>>
    tpu.enqueue_indirect_dma source(%dma_start3A_99 : memref<1000001x32xf32, #tpu.memory_space<hbm>>) target(%dma_start3A_93 : memref<128x32xf32, #tpu.memory_space<vmem>>) offsets(%dma_start3A_96 : memref<128xi32, #tpu.memory_space<vmem>>) semaphore(%arg8 : memref<!tpu.dma_semaphore, #tpu.memory_space<semaphore_mem>>)
    %dma_start3A_100 = arith.constant 10 : i32
    %dma_start3A_101 = arith.constant 0 : i32
    %dma_start3A_102 = arith.constant 0 : i32
    %dma_start3A_103 = tpu.memref_slice %arg7[%dma_start3A_101, %dma_start3A_102] : memref<1280x32xf32, #tpu.memory_space<vmem>> -> memref<128x32xf32, #tpu.memory_space<vmem>>
    %dma_start3A_104 = arith.constant 0 : i32
    %dma_start3A_105 = tpu.memref_slice %arg5[%dma_start3A_100, %dma_start3A_104] : memref<200x128xi32, #tpu.memory_space<vmem>> -> memref<1x128xi32, #tpu.memory_space<vmem>>
    %dma_start3A_106 = tpu.memref_squeeze %dma_start3A_105 : memref<1x128xi32, #tpu.memory_space<vmem>> -> memref<128xi32, #tpu.memory_space<vmem>>
    %dma_start3A_107 = arith.constant 0 : i32
    %dma_start3A_108 = arith.constant 0 : i32
    %dma_start3A_109 = tpu.memref_slice %arg3[%dma_start3A_107, %dma_start3A_108] : memref<1000001x32xf32, #tpu.memory_space<hbm>> -> memref<1000001x32xf32, #tpu.memory_space<hbm>>
    tpu.enqueue_indirect_dma source(%dma_start3A_109 : memref<1000001x32xf32, #tpu.memory_space<hbm>>) target(%dma_start3A_103 : memref<128x32xf32, #tpu.memory_space<vmem>>) offsets(%dma_start3A_106 : memref<128xi32, #tpu.memory_space<vmem>>) semaphore(%arg8 : memref<!tpu.dma_semaphore, #tpu.memory_space<semaphore_mem>>)
    %dma_start3A_110 = arith.constant 11 : i32
    %dma_start3A_111 = arith.constant 128 : i32
    %dma_start3A_112 = arith.constant 0 : i32
    %dma_start3A_113 = tpu.memref_slice %arg7[%dma_start3A_111, %dma_start3A_112] : memref<1280x32xf32, #tpu.memory_space<vmem>> -> memref<128x32xf32, #tpu.memory_space<vmem>>
    %dma_start3A_114 = arith.constant 0 : i32
    %dma_start3A_115 = tpu.memref_slice %arg5[%dma_start3A_110, %dma_start3A_114] : memref<200x128xi32, #tpu.memory_space<vmem>> -> memref<1x128xi32, #tpu.memory_space<vmem>>
    %dma_start3A_116 = tpu.memref_squeeze %dma_start3A_115 : memref<1x128xi32, #tpu.memory_space<vmem>> -> memref<128xi32, #tpu.memory_space<vmem>>
    %dma_start3A_117 = arith.constant 0 : i32
    %dma_start3A_118 = arith.constant 0 : i32
    %dma_start3A_119 = tpu.memref_slice %arg3[%dma_start3A_117, %dma_start3A_118] : memref<1000001x32xf32, #tpu.memory_space<hbm>> -> memref<1000001x32xf32, #tpu.memory_space<hbm>>
    tpu.enqueue_indirect_dma source(%dma_start3A_119 : memref<1000001x32xf32, #tpu.memory_space<hbm>>) target(%dma_start3A_113 : memref<128x32xf32, #tpu.memory_space<vmem>>) offsets(%dma_start3A_116 : memref<128xi32, #tpu.memory_space<vmem>>) semaphore(%arg8 : memref<!tpu.dma_semaphore, #tpu.memory_space<semaphore_mem>>)
    %dma_start3A_120 = arith.constant 12 : i32
    %dma_start3A_121 = arith.constant 256 : i32
    %dma_start3A_122 = arith.constant 0 : i32
    %dma_start3A_123 = tpu.memref_slice %arg7[%dma_start3A_121, %dma_start3A_122] : memref<1280x32xf32, #tpu.memory_space<vmem>> -> memref<128x32xf32, #tpu.memory_space<vmem>>
    %dma_start3A_124 = arith.constant 0 : i32
    %dma_start3A_125 = tpu.memref_slice %arg5[%dma_start3A_120, %dma_start3A_124] : memref<200x128xi32, #tpu.memory_space<vmem>> -> memref<1x128xi32, #tpu.memory_space<vmem>>
    %dma_start3A_126 = tpu.memref_squeeze %dma_start3A_125 : memref<1x128xi32, #tpu.memory_space<vmem>> -> memref<128xi32, #tpu.memory_space<vmem>>
    %dma_start3A_127 = arith.constant 0 : i32
    %dma_start3A_128 = arith.constant 0 : i32
    %dma_start3A_129 = tpu.memref_slice %arg3[%dma_start3A_127, %dma_start3A_128] : memref<1000001x32xf32, #tpu.memory_space<hbm>> -> memref<1000001x32xf32, #tpu.memory_space<hbm>>
    tpu.enqueue_indirect_dma source(%dma_start3A_129 : memref<1000001x32xf32, #tpu.memory_space<hbm>>) target(%dma_start3A_123 : memref<128x32xf32, #tpu.memory_space<vmem>>) offsets(%dma_start3A_126 : memref<128xi32, #tpu.memory_space<vmem>>) semaphore(%arg8 : memref<!tpu.dma_semaphore, #tpu.memory_space<semaphore_mem>>)
    %dma_start3A_130 = arith.constant 13 : i32
    %dma_start3A_131 = arith.constant 384 : i32
    %dma_start3A_132 = arith.constant 0 : i32
    %dma_start3A_133 = tpu.memref_slice %arg7[%dma_start3A_131, %dma_start3A_132] : memref<1280x32xf32, #tpu.memory_space<vmem>> -> memref<128x32xf32, #tpu.memory_space<vmem>>
    %dma_start3A_134 = arith.constant 0 : i32
    %dma_start3A_135 = tpu.memref_slice %arg5[%dma_start3A_130, %dma_start3A_134] : memref<200x128xi32, #tpu.memory_space<vmem>> -> memref<1x128xi32, #tpu.memory_space<vmem>>
    %dma_start3A_136 = tpu.memref_squeeze %dma_start3A_135 : memref<1x128xi32, #tpu.memory_space<vmem>> -> memref<128xi32, #tpu.memory_space<vmem>>
    %dma_start3A_137 = arith.constant 0 : i32
    %dma_start3A_138 = arith.constant 0 : i32
    %dma_start3A_139 = tpu.memref_slice %arg3[%dma_start3A_137, %dma_start3A_138] : memref<1000001x32xf32, #tpu.memory_space<hbm>> -> memref<1000001x32xf32, #tpu.memory_space<hbm>>
    tpu.enqueue_indirect_dma source(%dma_start3A_139 : memref<1000001x32xf32, #tpu.memory_space<hbm>>) target(%dma_start3A_133 : memref<128x32xf32, #tpu.memory_space<vmem>>) offsets(%dma_start3A_136 : memref<128xi32, #tpu.memory_space<vmem>>) semaphore(%arg8 : memref<!tpu.dma_semaphore, #tpu.memory_space<semaphore_mem>>)
    %dma_start3A_140 = arith.constant 14 : i32
    %dma_start3A_141 = arith.constant 512 : i32
    %dma_start3A_142 = arith.constant 0 : i32
    %dma_start3A_143 = tpu.memref_slice %arg7[%dma_start3A_141, %dma_start3A_142] : memref<1280x32xf32, #tpu.memory_space<vmem>> -> memref<128x32xf32, #tpu.memory_space<vmem>>
    %dma_start3A_144 = arith.constant 0 : i32
    %dma_start3A_145 = tpu.memref_slice %arg5[%dma_start3A_140, %dma_start3A_144] : memref<200x128xi32, #tpu.memory_space<vmem>> -> memref<1x128xi32, #tpu.memory_space<vmem>>
    %dma_start3A_146 = tpu.memref_squeeze %dma_start3A_145 : memref<1x128xi32, #tpu.memory_space<vmem>> -> memref<128xi32, #tpu.memory_space<vmem>>
    %dma_start3A_147 = arith.constant 0 : i32
    %dma_start3A_148 = arith.constant 0 : i32
    %dma_start3A_149 = tpu.memref_slice %arg3[%dma_start3A_147, %dma_start3A_148] : memref<1000001x32xf32, #tpu.memory_space<hbm>> -> memref<1000001x32xf32, #tpu.memory_space<hbm>>
    tpu.enqueue_indirect_dma source(%dma_start3A_149 : memref<1000001x32xf32, #tpu.memory_space<hbm>>) target(%dma_start3A_143 : memref<128x32xf32, #tpu.memory_space<vmem>>) offsets(%dma_start3A_146 : memref<128xi32, #tpu.memory_space<vmem>>) semaphore(%arg8 : memref<!tpu.dma_semaphore, #tpu.memory_space<semaphore_mem>>)
    %dma_start3A_150 = arith.constant 15 : i32
    %dma_start3A_151 = arith.constant 640 : i32
    %dma_start3A_152 = arith.constant 0 : i32
    %dma_start3A_153 = tpu.memref_slice %arg7[%dma_start3A_151, %dma_start3A_152] : memref<1280x32xf32, #tpu.memory_space<vmem>> -> memref<128x32xf32, #tpu.memory_space<vmem>>
    %dma_start3A_154 = arith.constant 0 : i32
    %dma_start3A_155 = tpu.memref_slice %arg5[%dma_start3A_150, %dma_start3A_154] : memref<200x128xi32, #tpu.memory_space<vmem>> -> memref<1x128xi32, #tpu.memory_space<vmem>>
    %dma_start3A_156 = tpu.memref_squeeze %dma_start3A_155 : memref<1x128xi32, #tpu.memory_space<vmem>> -> memref<128xi32, #tpu.memory_space<vmem>>
    %dma_start3A_157 = arith.constant 0 : i32
    %dma_start3A_158 = arith.constant 0 : i32
    %dma_start3A_159 = tpu.memref_slice %arg3[%dma_start3A_157, %dma_start3A_158] : memref<1000001x32xf32, #tpu.memory_space<hbm>> -> memref<1000001x32xf32, #tpu.memory_space<hbm>>
    tpu.enqueue_indirect_dma source(%dma_start3A_159 : memref<1000001x32xf32, #tpu.memory_space<hbm>>) target(%dma_start3A_153 : memref<128x32xf32, #tpu.memory_space<vmem>>) offsets(%dma_start3A_156 : memref<128xi32, #tpu.memory_space<vmem>>) semaphore(%arg8 : memref<!tpu.dma_semaphore, #tpu.memory_space<semaphore_mem>>)
    %dma_start3A_160 = arith.constant 16 : i32
    %dma_start3A_161 = arith.constant 768 : i32
    %dma_start3A_162 = arith.constant 0 : i32
    %dma_start3A_163 = tpu.memref_slice %arg7[%dma_start3A_161, %dma_start3A_162] : memref<1280x32xf32, #tpu.memory_space<vmem>> -> memref<128x32xf32, #tpu.memory_space<vmem>>
    %dma_start3A_164 = arith.constant 0 : i32
    %dma_start3A_165 = tpu.memref_slice %arg5[%dma_start3A_160, %dma_start3A_164] : memref<200x128xi32, #tpu.memory_space<vmem>> -> memref<1x128xi32, #tpu.memory_space<vmem>>
    %dma_start3A_166 = tpu.memref_squeeze %dma_start3A_165 : memref<1x128xi32, #tpu.memory_space<vmem>> -> memref<128xi32, #tpu.memory_space<vmem>>
    %dma_start3A_167 = arith.constant 0 : i32
    %dma_start3A_168 = arith.constant 0 : i32
    %dma_start3A_169 = tpu.memref_slice %arg3[%dma_start3A_167, %dma_start3A_168] : memref<1000001x32xf32, #tpu.memory_space<hbm>> -> memref<1000001x32xf32, #tpu.memory_space<hbm>>
    tpu.enqueue_indirect_dma source(%dma_start3A_169 : memref<1000001x32xf32, #tpu.memory_space<hbm>>) target(%dma_start3A_163 : memref<128x32xf32, #tpu.memory_space<vmem>>) offsets(%dma_start3A_166 : memref<128xi32, #tpu.memory_space<vmem>>) semaphore(%arg8 : memref<!tpu.dma_semaphore, #tpu.memory_space<semaphore_mem>>)
    %dma_start3A_170 = arith.constant 17 : i32
    %dma_start3A_171 = arith.constant 896 : i32
    %dma_start3A_172 = arith.constant 0 : i32
    %dma_start3A_173 = tpu.memref_slice %arg7[%dma_start3A_171, %dma_start3A_172] : memref<1280x32xf32, #tpu.memory_space<vmem>> -> memref<128x32xf32, #tpu.memory_space<vmem>>
    %dma_start3A_174 = arith.constant 0 : i32
    %dma_start3A_175 = tpu.memref_slice %arg5[%dma_start3A_170, %dma_start3A_174] : memref<200x128xi32, #tpu.memory_space<vmem>> -> memref<1x128xi32, #tpu.memory_space<vmem>>
    %dma_start3A_176 = tpu.memref_squeeze %dma_start3A_175 : memref<1x128xi32, #tpu.memory_space<vmem>> -> memref<128xi32, #tpu.memory_space<vmem>>
    %dma_start3A_177 = arith.constant 0 : i32
    %dma_start3A_178 = arith.constant 0 : i32
    %dma_start3A_179 = tpu.memref_slice %arg3[%dma_start3A_177, %dma_start3A_178] : memref<1000001x32xf32, #tpu.memory_space<hbm>> -> memref<1000001x32xf32, #tpu.memory_space<hbm>>
    tpu.enqueue_indirect_dma source(%dma_start3A_179 : memref<1000001x32xf32, #tpu.memory_space<hbm>>) target(%dma_start3A_173 : memref<128x32xf32, #tpu.memory_space<vmem>>) offsets(%dma_start3A_176 : memref<128xi32, #tpu.memory_space<vmem>>) semaphore(%arg8 : memref<!tpu.dma_semaphore, #tpu.memory_space<semaphore_mem>>)
    %dma_start3A_180 = arith.constant 18 : i32
    %dma_start3A_181 = arith.constant 1024 : i32
    %dma_start3A_182 = arith.constant 0 : i32
    %dma_start3A_183 = tpu.memref_slice %arg7[%dma_start3A_181, %dma_start3A_182] : memref<1280x32xf32, #tpu.memory_space<vmem>> -> memref<128x32xf32, #tpu.memory_space<vmem>>
    %dma_start3A_184 = arith.constant 0 : i32
    %dma_start3A_185 = tpu.memref_slice %arg5[%dma_start3A_180, %dma_start3A_184] : memref<200x128xi32, #tpu.memory_space<vmem>> -> memref<1x128xi32, #tpu.memory_space<vmem>>
    %dma_start3A_186 = tpu.memref_squeeze %dma_start3A_185 : memref<1x128xi32, #tpu.memory_space<vmem>> -> memref<128xi32, #tpu.memory_space<vmem>>
    %dma_start3A_187 = arith.constant 0 : i32
    %dma_start3A_188 = arith.constant 0 : i32
    %dma_start3A_189 = tpu.memref_slice %arg3[%dma_start3A_187, %dma_start3A_188] : memref<1000001x32xf32, #tpu.memory_space<hbm>> -> memref<1000001x32xf32, #tpu.memory_space<hbm>>
    tpu.enqueue_indirect_dma source(%dma_start3A_189 : memref<1000001x32xf32, #tpu.memory_space<hbm>>) target(%dma_start3A_183 : memref<128x32xf32, #tpu.memory_space<vmem>>) offsets(%dma_start3A_186 : memref<128xi32, #tpu.memory_space<vmem>>) semaphore(%arg8 : memref<!tpu.dma_semaphore, #tpu.memory_space<semaphore_mem>>)
    %dma_start3A_190 = arith.constant 19 : i32
    %dma_start3A_191 = arith.constant 1152 : i32
    %dma_start3A_192 = arith.constant 0 : i32
    %dma_start3A_193 = tpu.memref_slice %arg7[%dma_start3A_191, %dma_start3A_192] : memref<1280x32xf32, #tpu.memory_space<vmem>> -> memref<128x32xf32, #tpu.memory_space<vmem>>
    %dma_start3A_194 = arith.constant 0 : i32
    %dma_start3A_195 = tpu.memref_slice %arg5[%dma_start3A_190, %dma_start3A_194] : memref<200x128xi32, #tpu.memory_space<vmem>> -> memref<1x128xi32, #tpu.memory_space<vmem>>
    %dma_start3A_196 = tpu.memref_squeeze %dma_start3A_195 : memref<1x128xi32, #tpu.memory_space<vmem>> -> memref<128xi32, #tpu.memory_space<vmem>>
    %dma_start3A_197 = arith.constant 0 : i32
    %dma_start3A_198 = arith.constant 0 : i32
    %dma_start3A_199 = tpu.memref_slice %arg3[%dma_start3A_197, %dma_start3A_198] : memref<1000001x32xf32, #tpu.memory_space<hbm>> -> memref<1000001x32xf32, #tpu.memory_space<hbm>>
    tpu.enqueue_indirect_dma source(%dma_start3A_199 : memref<1000001x32xf32, #tpu.memory_space<hbm>>) target(%dma_start3A_193 : memref<128x32xf32, #tpu.memory_space<vmem>>) offsets(%dma_start3A_196 : memref<128xi32, #tpu.memory_space<vmem>>) semaphore(%arg8 : memref<!tpu.dma_semaphore, #tpu.memory_space<semaphore_mem>>)
    %scan3A = arith.constant 0 : i32
    %scan3A_200 = arith.constant 0 : i32
    %scan3A_201 = arith.constant 9 : i32
    %scan3A_202 = arith.addi %scan3A_200, %scan3A_201 : i32
    %scan3A_203 = arith.constant 1 : i32
    scf.for %scan3A_405 = %scan3A_200 to %scan3A_202 step %scan3A_203  : i32 {
      %mul3A_406 = arith.constant 2 : i32
      %mul3A_407 = arith.muli %mul3A_406, %scan3A_405 : i32
      %mul3A_408 = arith.constant 10 : i32
      %mul3A_409 = arith.muli %mul3A_407, %mul3A_408 : i32
      %add3A_410 = arith.constant 0 : i32
      %add3A_411 = arith.addi %mul3A_409, %add3A_410 : i32
      %dma_wait3A_412 = arith.constant 0 : i32
      %dma_wait3A_413 = arith.constant 0 : i32
      %dma_wait3A_414 = tpu.memref_slice %arg6[%dma_wait3A_412, %dma_wait3A_413] : memref<1280x32xf32, #tpu.memory_space<vmem>> -> memref<128x32xf32, #tpu.memory_space<vmem>>
      %dma_wait3A_415 = arith.constant 0 : i32
      %dma_wait3A_416 = tpu.memref_slice %arg5[%add3A_411, %dma_wait3A_415] : memref<200x128xi32, #tpu.memory_space<vmem>> -> memref<1x128xi32, #tpu.memory_space<vmem>>
      %dma_wait3A_417 = tpu.memref_squeeze %dma_wait3A_416 : memref<1x128xi32, #tpu.memory_space<vmem>> -> memref<128xi32, #tpu.memory_space<vmem>>
      %dma_wait3A_418 = arith.constant 0 : i32
      %dma_wait3A_419 = arith.constant 0 : i32
      %dma_wait3A_420 = tpu.memref_slice %arg3[%dma_wait3A_418, %dma_wait3A_419] : memref<1000001x32xf32, #tpu.memory_space<hbm>> -> memref<1000001x32xf32, #tpu.memory_space<hbm>>
      tpu.wait_indirect_dma semaphore(%arg8 : memref<!tpu.dma_semaphore, #tpu.memory_space<semaphore_mem>>) src(%dma_wait3A_420 : memref<1000001x32xf32, #tpu.memory_space<hbm>>) dst(%dma_wait3A_414 : memref<128x32xf32, #tpu.memory_space<vmem>>)
      %mul3A_421 = arith.constant 10 : i32
      %mul3A_422 = arith.muli %mul3A_407, %mul3A_421 : i32
      %add3A_423 = arith.constant 1 : i32
      %add3A_424 = arith.addi %mul3A_422, %add3A_423 : i32
      %dma_wait3A_425 = arith.constant 128 : i32
      %dma_wait3A_426 = arith.constant 0 : i32
      %dma_wait3A_427 = tpu.memref_slice %arg6[%dma_wait3A_425, %dma_wait3A_426] : memref<1280x32xf32, #tpu.memory_space<vmem>> -> memref<128x32xf32, #tpu.memory_space<vmem>>
      %dma_wait3A_428 = arith.constant 0 : i32
      %dma_wait3A_429 = tpu.memref_slice %arg5[%add3A_424, %dma_wait3A_428] : memref<200x128xi32, #tpu.memory_space<vmem>> -> memref<1x128xi32, #tpu.memory_space<vmem>>
      %dma_wait3A_430 = tpu.memref_squeeze %dma_wait3A_429 : memref<1x128xi32, #tpu.memory_space<vmem>> -> memref<128xi32, #tpu.memory_space<vmem>>
      %dma_wait3A_431 = arith.constant 0 : i32
      %dma_wait3A_432 = arith.constant 0 : i32
      %dma_wait3A_433 = tpu.memref_slice %arg3[%dma_wait3A_431, %dma_wait3A_432] : memref<1000001x32xf32, #tpu.memory_space<hbm>> -> memref<1000001x32xf32, #tpu.memory_space<hbm>>
      tpu.wait_indirect_dma semaphore(%arg8 : memref<!tpu.dma_semaphore, #tpu.memory_space<semaphore_mem>>) src(%dma_wait3A_433 : memref<1000001x32xf32, #tpu.memory_space<hbm>>) dst(%dma_wait3A_427 : memref<128x32xf32, #tpu.memory_space<vmem>>)
      %mul3A_434 = arith.constant 10 : i32
      %mul3A_435 = arith.muli %mul3A_407, %mul3A_434 : i32
      %add3A_436 = arith.constant 2 : i32
      %add3A_437 = arith.addi %mul3A_435, %add3A_436 : i32
      %dma_wait3A_438 = arith.constant 256 : i32
      %dma_wait3A_439 = arith.constant 0 : i32
      %dma_wait3A_440 = tpu.memref_slice %arg6[%dma_wait3A_438, %dma_wait3A_439] : memref<1280x32xf32, #tpu.memory_space<vmem>> -> memref<128x32xf32, #tpu.memory_space<vmem>>
      %dma_wait3A_441 = arith.constant 0 : i32
      %dma_wait3A_442 = tpu.memref_slice %arg5[%add3A_437, %dma_wait3A_441] : memref<200x128xi32, #tpu.memory_space<vmem>> -> memref<1x128xi32, #tpu.memory_space<vmem>>
      %dma_wait3A_443 = tpu.memref_squeeze %dma_wait3A_442 : memref<1x128xi32, #tpu.memory_space<vmem>> -> memref<128xi32, #tpu.memory_space<vmem>>
      %dma_wait3A_444 = arith.constant 0 : i32
      %dma_wait3A_445 = arith.constant 0 : i32
      %dma_wait3A_446 = tpu.memref_slice %arg3[%dma_wait3A_444, %dma_wait3A_445] : memref<1000001x32xf32, #tpu.memory_space<hbm>> -> memref<1000001x32xf32, #tpu.memory_space<hbm>>
      tpu.wait_indirect_dma semaphore(%arg8 : memref<!tpu.dma_semaphore, #tpu.memory_space<semaphore_mem>>) src(%dma_wait3A_446 : memref<1000001x32xf32, #tpu.memory_space<hbm>>) dst(%dma_wait3A_440 : memref<128x32xf32, #tpu.memory_space<vmem>>)
      %mul3A_447 = arith.constant 10 : i32
      %mul3A_448 = arith.muli %mul3A_407, %mul3A_447 : i32
      %add3A_449 = arith.constant 3 : i32
      %add3A_450 = arith.addi %mul3A_448, %add3A_449 : i32
      %dma_wait3A_451 = arith.constant 384 : i32
      %dma_wait3A_452 = arith.constant 0 : i32
      %dma_wait3A_453 = tpu.memref_slice %arg6[%dma_wait3A_451, %dma_wait3A_452] : memref<1280x32xf32, #tpu.memory_space<vmem>> -> memref<128x32xf32, #tpu.memory_space<vmem>>
      %dma_wait3A_454 = arith.constant 0 : i32
      %dma_wait3A_455 = tpu.memref_slice %arg5[%add3A_450, %dma_wait3A_454] : memref<200x128xi32, #tpu.memory_space<vmem>> -> memref<1x128xi32, #tpu.memory_space<vmem>>
      %dma_wait3A_456 = tpu.memref_squeeze %dma_wait3A_455 : memref<1x128xi32, #tpu.memory_space<vmem>> -> memref<128xi32, #tpu.memory_space<vmem>>
      %dma_wait3A_457 = arith.constant 0 : i32
      %dma_wait3A_458 = arith.constant 0 : i32
      %dma_wait3A_459 = tpu.memref_slice %arg3[%dma_wait3A_457, %dma_wait3A_458] : memref<1000001x32xf32, #tpu.memory_space<hbm>> -> memref<1000001x32xf32, #tpu.memory_space<hbm>>
      tpu.wait_indirect_dma semaphore(%arg8 : memref<!tpu.dma_semaphore, #tpu.memory_space<semaphore_mem>>) src(%dma_wait3A_459 : memref<1000001x32xf32, #tpu.memory_space<hbm>>) dst(%dma_wait3A_453 : memref<128x32xf32, #tpu.memory_space<vmem>>)
      %mul3A_460 = arith.constant 10 : i32
      %mul3A_461 = arith.muli %mul3A_407, %mul3A_460 : i32
      %add3A_462 = arith.constant 4 : i32
      %add3A_463 = arith.addi %mul3A_461, %add3A_462 : i32
      %dma_wait3A_464 = arith.constant 512 : i32
      %dma_wait3A_465 = arith.constant 0 : i32
      %dma_wait3A_466 = tpu.memref_slice %arg6[%dma_wait3A_464, %dma_wait3A_465] : memref<1280x32xf32, #tpu.memory_space<vmem>> -> memref<128x32xf32, #tpu.memory_space<vmem>>
      %dma_wait3A_467 = arith.constant 0 : i32
      %dma_wait3A_468 = tpu.memref_slice %arg5[%add3A_463, %dma_wait3A_467] : memref<200x128xi32, #tpu.memory_space<vmem>> -> memref<1x128xi32, #tpu.memory_space<vmem>>
      %dma_wait3A_469 = tpu.memref_squeeze %dma_wait3A_468 : memref<1x128xi32, #tpu.memory_space<vmem>> -> memref<128xi32, #tpu.memory_space<vmem>>
      %dma_wait3A_470 = arith.constant 0 : i32
      %dma_wait3A_471 = arith.constant 0 : i32
      %dma_wait3A_472 = tpu.memref_slice %arg3[%dma_wait3A_470, %dma_wait3A_471] : memref<1000001x32xf32, #tpu.memory_space<hbm>> -> memref<1000001x32xf32, #tpu.memory_space<hbm>>
      tpu.wait_indirect_dma semaphore(%arg8 : memref<!tpu.dma_semaphore, #tpu.memory_space<semaphore_mem>>) src(%dma_wait3A_472 : memref<1000001x32xf32, #tpu.memory_space<hbm>>) dst(%dma_wait3A_466 : memref<128x32xf32, #tpu.memory_space<vmem>>)
      %mul3A_473 = arith.constant 10 : i32
      %mul3A_474 = arith.muli %mul3A_407, %mul3A_473 : i32
      %add3A_475 = arith.constant 5 : i32
      %add3A_476 = arith.addi %mul3A_474, %add3A_475 : i32
      %dma_wait3A_477 = arith.constant 640 : i32
      %dma_wait3A_478 = arith.constant 0 : i32
      %dma_wait3A_479 = tpu.memref_slice %arg6[%dma_wait3A_477, %dma_wait3A_478] : memref<1280x32xf32, #tpu.memory_space<vmem>> -> memref<128x32xf32, #tpu.memory_space<vmem>>
      %dma_wait3A_480 = arith.constant 0 : i32
      %dma_wait3A_481 = tpu.memref_slice %arg5[%add3A_476, %dma_wait3A_480] : memref<200x128xi32, #tpu.memory_space<vmem>> -> memref<1x128xi32, #tpu.memory_space<vmem>>
      %dma_wait3A_482 = tpu.memref_squeeze %dma_wait3A_481 : memref<1x128xi32, #tpu.memory_space<vmem>> -> memref<128xi32, #tpu.memory_space<vmem>>
      %dma_wait3A_483 = arith.constant 0 : i32
      %dma_wait3A_484 = arith.constant 0 : i32
      %dma_wait3A_485 = tpu.memref_slice %arg3[%dma_wait3A_483, %dma_wait3A_484] : memref<1000001x32xf32, #tpu.memory_space<hbm>> -> memref<1000001x32xf32, #tpu.memory_space<hbm>>
      tpu.wait_indirect_dma semaphore(%arg8 : memref<!tpu.dma_semaphore, #tpu.memory_space<semaphore_mem>>) src(%dma_wait3A_485 : memref<1000001x32xf32, #tpu.memory_space<hbm>>) dst(%dma_wait3A_479 : memref<128x32xf32, #tpu.memory_space<vmem>>)
      %mul3A_486 = arith.constant 10 : i32
      %mul3A_487 = arith.muli %mul3A_407, %mul3A_486 : i32
      %add3A_488 = arith.constant 6 : i32
      %add3A_489 = arith.addi %mul3A_487, %add3A_488 : i32
      %dma_wait3A_490 = arith.constant 768 : i32
      %dma_wait3A_491 = arith.constant 0 : i32
      %dma_wait3A_492 = tpu.memref_slice %arg6[%dma_wait3A_490, %dma_wait3A_491] : memref<1280x32xf32, #tpu.memory_space<vmem>> -> memref<128x32xf32, #tpu.memory_space<vmem>>
      %dma_wait3A_493 = arith.constant 0 : i32
      %dma_wait3A_494 = tpu.memref_slice %arg5[%add3A_489, %dma_wait3A_493] : memref<200x128xi32, #tpu.memory_space<vmem>> -> memref<1x128xi32, #tpu.memory_space<vmem>>
      %dma_wait3A_495 = tpu.memref_squeeze %dma_wait3A_494 : memref<1x128xi32, #tpu.memory_space<vmem>> -> memref<128xi32, #tpu.memory_space<vmem>>
      %dma_wait3A_496 = arith.constant 0 : i32
      %dma_wait3A_497 = arith.constant 0 : i32
      %dma_wait3A_498 = tpu.memref_slice %arg3[%dma_wait3A_496, %dma_wait3A_497] : memref<1000001x32xf32, #tpu.memory_space<hbm>> -> memref<1000001x32xf32, #tpu.memory_space<hbm>>
      tpu.wait_indirect_dma semaphore(%arg8 : memref<!tpu.dma_semaphore, #tpu.memory_space<semaphore_mem>>) src(%dma_wait3A_498 : memref<1000001x32xf32, #tpu.memory_space<hbm>>) dst(%dma_wait3A_492 : memref<128x32xf32, #tpu.memory_space<vmem>>)
      %mul3A_499 = arith.constant 10 : i32
      %mul3A_500 = arith.muli %mul3A_407, %mul3A_499 : i32
      %add3A_501 = arith.constant 7 : i32
      %add3A_502 = arith.addi %mul3A_500, %add3A_501 : i32
      %dma_wait3A_503 = arith.constant 896 : i32
      %dma_wait3A_504 = arith.constant 0 : i32
      %dma_wait3A_505 = tpu.memref_slice %arg6[%dma_wait3A_503, %dma_wait3A_504] : memref<1280x32xf32, #tpu.memory_space<vmem>> -> memref<128x32xf32, #tpu.memory_space<vmem>>
      %dma_wait3A_506 = arith.constant 0 : i32
      %dma_wait3A_507 = tpu.memref_slice %arg5[%add3A_502, %dma_wait3A_506] : memref<200x128xi32, #tpu.memory_space<vmem>> -> memref<1x128xi32, #tpu.memory_space<vmem>>
      %dma_wait3A_508 = tpu.memref_squeeze %dma_wait3A_507 : memref<1x128xi32, #tpu.memory_space<vmem>> -> memref<128xi32, #tpu.memory_space<vmem>>
      %dma_wait3A_509 = arith.constant 0 : i32
      %dma_wait3A_510 = arith.constant 0 : i32
      %dma_wait3A_511 = tpu.memref_slice %arg3[%dma_wait3A_509, %dma_wait3A_510] : memref<1000001x32xf32, #tpu.memory_space<hbm>> -> memref<1000001x32xf32, #tpu.memory_space<hbm>>
      tpu.wait_indirect_dma semaphore(%arg8 : memref<!tpu.dma_semaphore, #tpu.memory_space<semaphore_mem>>) src(%dma_wait3A_511 : memref<1000001x32xf32, #tpu.memory_space<hbm>>) dst(%dma_wait3A_505 : memref<128x32xf32, #tpu.memory_space<vmem>>)
      %mul3A_512 = arith.constant 10 : i32
      %mul3A_513 = arith.muli %mul3A_407, %mul3A_512 : i32
      %add3A_514 = arith.constant 8 : i32
      %add3A_515 = arith.addi %mul3A_513, %add3A_514 : i32
      %dma_wait3A_516 = arith.constant 1024 : i32
      %dma_wait3A_517 = arith.constant 0 : i32
      %dma_wait3A_518 = tpu.memref_slice %arg6[%dma_wait3A_516, %dma_wait3A_517] : memref<1280x32xf32, #tpu.memory_space<vmem>> -> memref<128x32xf32, #tpu.memory_space<vmem>>
      %dma_wait3A_519 = arith.constant 0 : i32
      %dma_wait3A_520 = tpu.memref_slice %arg5[%add3A_515, %dma_wait3A_519] : memref<200x128xi32, #tpu.memory_space<vmem>> -> memref<1x128xi32, #tpu.memory_space<vmem>>
      %dma_wait3A_521 = tpu.memref_squeeze %dma_wait3A_520 : memref<1x128xi32, #tpu.memory_space<vmem>> -> memref<128xi32, #tpu.memory_space<vmem>>
      %dma_wait3A_522 = arith.constant 0 : i32
      %dma_wait3A_523 = arith.constant 0 : i32
      %dma_wait3A_524 = tpu.memref_slice %arg3[%dma_wait3A_522, %dma_wait3A_523] : memref<1000001x32xf32, #tpu.memory_space<hbm>> -> memref<1000001x32xf32, #tpu.memory_space<hbm>>
      tpu.wait_indirect_dma semaphore(%arg8 : memref<!tpu.dma_semaphore, #tpu.memory_space<semaphore_mem>>) src(%dma_wait3A_524 : memref<1000001x32xf32, #tpu.memory_space<hbm>>) dst(%dma_wait3A_518 : memref<128x32xf32, #tpu.memory_space<vmem>>)
      %mul3A_525 = arith.constant 10 : i32
      %mul3A_526 = arith.muli %mul3A_407, %mul3A_525 : i32
      %add3A_527 = arith.constant 9 : i32
      %add3A_528 = arith.addi %mul3A_526, %add3A_527 : i32
      %dma_wait3A_529 = arith.constant 1152 : i32
      %dma_wait3A_530 = arith.constant 0 : i32
      %dma_wait3A_531 = tpu.memref_slice %arg6[%dma_wait3A_529, %dma_wait3A_530] : memref<1280x32xf32, #tpu.memory_space<vmem>> -> memref<128x32xf32, #tpu.memory_space<vmem>>
      %dma_wait3A_532 = arith.constant 0 : i32
      %dma_wait3A_533 = tpu.memref_slice %arg5[%add3A_528, %dma_wait3A_532] : memref<200x128xi32, #tpu.memory_space<vmem>> -> memref<1x128xi32, #tpu.memory_space<vmem>>
      %dma_wait3A_534 = tpu.memref_squeeze %dma_wait3A_533 : memref<1x128xi32, #tpu.memory_space<vmem>> -> memref<128xi32, #tpu.memory_space<vmem>>
      %dma_wait3A_535 = arith.constant 0 : i32
      %dma_wait3A_536 = arith.constant 0 : i32
      %dma_wait3A_537 = tpu.memref_slice %arg3[%dma_wait3A_535, %dma_wait3A_536] : memref<1000001x32xf32, #tpu.memory_space<hbm>> -> memref<1000001x32xf32, #tpu.memory_space<hbm>>
      tpu.wait_indirect_dma semaphore(%arg8 : memref<!tpu.dma_semaphore, #tpu.memory_space<semaphore_mem>>) src(%dma_wait3A_537 : memref<1000001x32xf32, #tpu.memory_space<hbm>>) dst(%dma_wait3A_531 : memref<128x32xf32, #tpu.memory_space<vmem>>)
      "tpu.region"() ({
        %run_scoped3A_936 = tpu.sem_alloc : memref<!tpu.dma_semaphore, #tpu.memory_space<semaphore_mem>>
        %dma_start3A_937 = arith.constant 0 : i32
        %dma_start3A_938 = arith.constant 0 : i32
        %dma_start3A_939 = tpu.memref_slice %arg4[%add3A, %mul3A_407, %dma_start3A_937, %dma_start3A_938] : memref<32x20x1280x32xf32, #tpu.memory_space<hbm>> -> memref<1x1x1280x32xf32, #tpu.memory_space<hbm>>
        %dma_start3A_940 = tpu.memref_squeeze %dma_start3A_939 : memref<1x1x1280x32xf32, #tpu.memory_space<hbm>> -> memref<1280x32xf32, #tpu.memory_space<hbm>>
        %dma_start3A_941 = arith.constant 0 : i32
        %dma_start3A_942 = arith.constant 0 : i32
        %dma_start3A_943 = tpu.memref_slice %arg4[%add3A, %mul3A_407, %dma_start3A_941, %dma_start3A_942] : memref<32x20x1280x32xf32, #tpu.memory_space<hbm>> -> memref<1x1x1280x32xf32, #tpu.memory_space<hbm>>
        %dma_start3A_944 = tpu.memref_squeeze %dma_start3A_943 : memref<1x1x1280x32xf32, #tpu.memory_space<hbm>> -> memref<1280x32xf32, #tpu.memory_space<hbm>>
        tpu.enqueue_dma source(%arg6 : memref<1280x32xf32, #tpu.memory_space<vmem>>) target(%dma_start3A_944 : memref<1280x32xf32, #tpu.memory_space<hbm>>) target_semaphore(%run_scoped3A_936 : memref<!tpu.dma_semaphore, #tpu.memory_space<semaphore_mem>>)
        %dma_wait3A_945 = arith.constant 0 : i32
        %dma_wait3A_946 = arith.constant 0 : i32
        %dma_wait3A_947 = tpu.memref_slice %arg4[%add3A, %mul3A_407, %dma_wait3A_945, %dma_wait3A_946] : memref<32x20x1280x32xf32, #tpu.memory_space<hbm>> -> memref<1x1x1280x32xf32, #tpu.memory_space<hbm>>
        %dma_wait3A_948 = tpu.memref_squeeze %dma_wait3A_947 : memref<1x1x1280x32xf32, #tpu.memory_space<hbm>> -> memref<1280x32xf32, #tpu.memory_space<hbm>>
        %dma_wait3A_949 = arith.constant 0 : i32
        %dma_wait3A_950 = arith.constant 0 : i32
        %dma_wait3A_951 = tpu.memref_slice %arg4[%add3A, %mul3A_407, %dma_wait3A_949, %dma_wait3A_950] : memref<32x20x1280x32xf32, #tpu.memory_space<hbm>> -> memref<1x1x1280x32xf32, #tpu.memory_space<hbm>>
        %dma_wait3A_952 = tpu.memref_squeeze %dma_wait3A_951 : memref<1x1x1280x32xf32, #tpu.memory_space<hbm>> -> memref<1280x32xf32, #tpu.memory_space<hbm>>
        tpu.wait_dma2 semaphore(%run_scoped3A_936 : memref<!tpu.dma_semaphore, #tpu.memory_space<semaphore_mem>>) src(%arg6 : memref<1280x32xf32, #tpu.memory_space<vmem>>) dst(%dma_wait3A_952 : memref<1280x32xf32, #tpu.memory_space<hbm>>)
        tpu.yield
      }) : () -> ()
      %add3A_538 = arith.constant 2 : i32
      %add3A_539 = arith.addi %mul3A_407, %add3A_538 : i32
      %mul3A_540 = arith.constant 10 : i32
      %mul3A_541 = arith.muli %add3A_539, %mul3A_540 : i32
      %add3A_542 = arith.constant 0 : i32
      %add3A_543 = arith.addi %mul3A_541, %add3A_542 : i32
      %dma_start3A_544 = arith.constant 0 : i32
      %dma_start3A_545 = arith.constant 0 : i32
      %dma_start3A_546 = tpu.memref_slice %arg6[%dma_start3A_544, %dma_start3A_545] : memref<1280x32xf32, #tpu.memory_space<vmem>> -> memref<128x32xf32, #tpu.memory_space<vmem>>
      %dma_start3A_547 = arith.constant 0 : i32
      %dma_start3A_548 = tpu.memref_slice %arg5[%add3A_543, %dma_start3A_547] : memref<200x128xi32, #tpu.memory_space<vmem>> -> memref<1x128xi32, #tpu.memory_space<vmem>>
      %dma_start3A_549 = tpu.memref_squeeze %dma_start3A_548 : memref<1x128xi32, #tpu.memory_space<vmem>> -> memref<128xi32, #tpu.memory_space<vmem>>
      %dma_start3A_550 = arith.constant 0 : i32
      %dma_start3A_551 = arith.constant 0 : i32
      %dma_start3A_552 = tpu.memref_slice %arg3[%dma_start3A_550, %dma_start3A_551] : memref<1000001x32xf32, #tpu.memory_space<hbm>> -> memref<1000001x32xf32, #tpu.memory_space<hbm>>
      tpu.enqueue_indirect_dma source(%dma_start3A_552 : memref<1000001x32xf32, #tpu.memory_space<hbm>>) target(%dma_start3A_546 : memref<128x32xf32, #tpu.memory_space<vmem>>) offsets(%dma_start3A_549 : memref<128xi32, #tpu.memory_space<vmem>>) semaphore(%arg8 : memref<!tpu.dma_semaphore, #tpu.memory_space<semaphore_mem>>)
      %mul3A_553 = arith.constant 10 : i32
      %mul3A_554 = arith.muli %add3A_539, %mul3A_553 : i32
      %add3A_555 = arith.constant 1 : i32
      %add3A_556 = arith.addi %mul3A_554, %add3A_555 : i32
      %dma_start3A_557 = arith.constant 128 : i32
      %dma_start3A_558 = arith.constant 0 : i32
      %dma_start3A_559 = tpu.memref_slice %arg6[%dma_start3A_557, %dma_start3A_558] : memref<1280x32xf32, #tpu.memory_space<vmem>> -> memref<128x32xf32, #tpu.memory_space<vmem>>
      %dma_start3A_560 = arith.constant 0 : i32
      %dma_start3A_561 = tpu.memref_slice %arg5[%add3A_556, %dma_start3A_560] : memref<200x128xi32, #tpu.memory_space<vmem>> -> memref<1x128xi32, #tpu.memory_space<vmem>>
      %dma_start3A_562 = tpu.memref_squeeze %dma_start3A_561 : memref<1x128xi32, #tpu.memory_space<vmem>> -> memref<128xi32, #tpu.memory_space<vmem>>
      %dma_start3A_563 = arith.constant 0 : i32
      %dma_start3A_564 = arith.constant 0 : i32
      %dma_start3A_565 = tpu.memref_slice %arg3[%dma_start3A_563, %dma_start3A_564] : memref<1000001x32xf32, #tpu.memory_space<hbm>> -> memref<1000001x32xf32, #tpu.memory_space<hbm>>
      tpu.enqueue_indirect_dma source(%dma_start3A_565 : memref<1000001x32xf32, #tpu.memory_space<hbm>>) target(%dma_start3A_559 : memref<128x32xf32, #tpu.memory_space<vmem>>) offsets(%dma_start3A_562 : memref<128xi32, #tpu.memory_space<vmem>>) semaphore(%arg8 : memref<!tpu.dma_semaphore, #tpu.memory_space<semaphore_mem>>)
      %mul3A_566 = arith.constant 10 : i32
      %mul3A_567 = arith.muli %add3A_539, %mul3A_566 : i32
      %add3A_568 = arith.constant 2 : i32
      %add3A_569 = arith.addi %mul3A_567, %add3A_568 : i32
      %dma_start3A_570 = arith.constant 256 : i32
      %dma_start3A_571 = arith.constant 0 : i32
      %dma_start3A_572 = tpu.memref_slice %arg6[%dma_start3A_570, %dma_start3A_571] : memref<1280x32xf32, #tpu.memory_space<vmem>> -> memref<128x32xf32, #tpu.memory_space<vmem>>
      %dma_start3A_573 = arith.constant 0 : i32
      %dma_start3A_574 = tpu.memref_slice %arg5[%add3A_569, %dma_start3A_573] : memref<200x128xi32, #tpu.memory_space<vmem>> -> memref<1x128xi32, #tpu.memory_space<vmem>>
      %dma_start3A_575 = tpu.memref_squeeze %dma_start3A_574 : memref<1x128xi32, #tpu.memory_space<vmem>> -> memref<128xi32, #tpu.memory_space<vmem>>
      %dma_start3A_576 = arith.constant 0 : i32
      %dma_start3A_577 = arith.constant 0 : i32
      %dma_start3A_578 = tpu.memref_slice %arg3[%dma_start3A_576, %dma_start3A_577] : memref<1000001x32xf32, #tpu.memory_space<hbm>> -> memref<1000001x32xf32, #tpu.memory_space<hbm>>
      tpu.enqueue_indirect_dma source(%dma_start3A_578 : memref<1000001x32xf32, #tpu.memory_space<hbm>>) target(%dma_start3A_572 : memref<128x32xf32, #tpu.memory_space<vmem>>) offsets(%dma_start3A_575 : memref<128xi32, #tpu.memory_space<vmem>>) semaphore(%arg8 : memref<!tpu.dma_semaphore, #tpu.memory_space<semaphore_mem>>)
      %mul3A_579 = arith.constant 10 : i32
      %mul3A_580 = arith.muli %add3A_539, %mul3A_579 : i32
      %add3A_581 = arith.constant 3 : i32
      %add3A_582 = arith.addi %mul3A_580, %add3A_581 : i32
      %dma_start3A_583 = arith.constant 384 : i32
      %dma_start3A_584 = arith.constant 0 : i32
      %dma_start3A_585 = tpu.memref_slice %arg6[%dma_start3A_583, %dma_start3A_584] : memref<1280x32xf32, #tpu.memory_space<vmem>> -> memref<128x32xf32, #tpu.memory_space<vmem>>
      %dma_start3A_586 = arith.constant 0 : i32
      %dma_start3A_587 = tpu.memref_slice %arg5[%add3A_582, %dma_start3A_586] : memref<200x128xi32, #tpu.memory_space<vmem>> -> memref<1x128xi32, #tpu.memory_space<vmem>>
      %dma_start3A_588 = tpu.memref_squeeze %dma_start3A_587 : memref<1x128xi32, #tpu.memory_space<vmem>> -> memref<128xi32, #tpu.memory_space<vmem>>
      %dma_start3A_589 = arith.constant 0 : i32
      %dma_start3A_590 = arith.constant 0 : i32
      %dma_start3A_591 = tpu.memref_slice %arg3[%dma_start3A_589, %dma_start3A_590] : memref<1000001x32xf32, #tpu.memory_space<hbm>> -> memref<1000001x32xf32, #tpu.memory_space<hbm>>
      tpu.enqueue_indirect_dma source(%dma_start3A_591 : memref<1000001x32xf32, #tpu.memory_space<hbm>>) target(%dma_start3A_585 : memref<128x32xf32, #tpu.memory_space<vmem>>) offsets(%dma_start3A_588 : memref<128xi32, #tpu.memory_space<vmem>>) semaphore(%arg8 : memref<!tpu.dma_semaphore, #tpu.memory_space<semaphore_mem>>)
      %mul3A_592 = arith.constant 10 : i32
      %mul3A_593 = arith.muli %add3A_539, %mul3A_592 : i32
      %add3A_594 = arith.constant 4 : i32
      %add3A_595 = arith.addi %mul3A_593, %add3A_594 : i32
      %dma_start3A_596 = arith.constant 512 : i32
      %dma_start3A_597 = arith.constant 0 : i32
      %dma_start3A_598 = tpu.memref_slice %arg6[%dma_start3A_596, %dma_start3A_597] : memref<1280x32xf32, #tpu.memory_space<vmem>> -> memref<128x32xf32, #tpu.memory_space<vmem>>
      %dma_start3A_599 = arith.constant 0 : i32
      %dma_start3A_600 = tpu.memref_slice %arg5[%add3A_595, %dma_start3A_599] : memref<200x128xi32, #tpu.memory_space<vmem>> -> memref<1x128xi32, #tpu.memory_space<vmem>>
      %dma_start3A_601 = tpu.memref_squeeze %dma_start3A_600 : memref<1x128xi32, #tpu.memory_space<vmem>> -> memref<128xi32, #tpu.memory_space<vmem>>
      %dma_start3A_602 = arith.constant 0 : i32
      %dma_start3A_603 = arith.constant 0 : i32
      %dma_start3A_604 = tpu.memref_slice %arg3[%dma_start3A_602, %dma_start3A_603] : memref<1000001x32xf32, #tpu.memory_space<hbm>> -> memref<1000001x32xf32, #tpu.memory_space<hbm>>
      tpu.enqueue_indirect_dma source(%dma_start3A_604 : memref<1000001x32xf32, #tpu.memory_space<hbm>>) target(%dma_start3A_598 : memref<128x32xf32, #tpu.memory_space<vmem>>) offsets(%dma_start3A_601 : memref<128xi32, #tpu.memory_space<vmem>>) semaphore(%arg8 : memref<!tpu.dma_semaphore, #tpu.memory_space<semaphore_mem>>)
      %mul3A_605 = arith.constant 10 : i32
      %mul3A_606 = arith.muli %add3A_539, %mul3A_605 : i32
      %add3A_607 = arith.constant 5 : i32
      %add3A_608 = arith.addi %mul3A_606, %add3A_607 : i32
      %dma_start3A_609 = arith.constant 640 : i32
      %dma_start3A_610 = arith.constant 0 : i32
      %dma_start3A_611 = tpu.memref_slice %arg6[%dma_start3A_609, %dma_start3A_610] : memref<1280x32xf32, #tpu.memory_space<vmem>> -> memref<128x32xf32, #tpu.memory_space<vmem>>
      %dma_start3A_612 = arith.constant 0 : i32
      %dma_start3A_613 = tpu.memref_slice %arg5[%add3A_608, %dma_start3A_612] : memref<200x128xi32, #tpu.memory_space<vmem>> -> memref<1x128xi32, #tpu.memory_space<vmem>>
      %dma_start3A_614 = tpu.memref_squeeze %dma_start3A_613 : memref<1x128xi32, #tpu.memory_space<vmem>> -> memref<128xi32, #tpu.memory_space<vmem>>
      %dma_start3A_615 = arith.constant 0 : i32
      %dma_start3A_616 = arith.constant 0 : i32
      %dma_start3A_617 = tpu.memref_slice %arg3[%dma_start3A_615, %dma_start3A_616] : memref<1000001x32xf32, #tpu.memory_space<hbm>> -> memref<1000001x32xf32, #tpu.memory_space<hbm>>
      tpu.enqueue_indirect_dma source(%dma_start3A_617 : memref<1000001x32xf32, #tpu.memory_space<hbm>>) target(%dma_start3A_611 : memref<128x32xf32, #tpu.memory_space<vmem>>) offsets(%dma_start3A_614 : memref<128xi32, #tpu.memory_space<vmem>>) semaphore(%arg8 : memref<!tpu.dma_semaphore, #tpu.memory_space<semaphore_mem>>)
      %mul3A_618 = arith.constant 10 : i32
      %mul3A_619 = arith.muli %add3A_539, %mul3A_618 : i32
      %add3A_620 = arith.constant 6 : i32
      %add3A_621 = arith.addi %mul3A_619, %add3A_620 : i32
      %dma_start3A_622 = arith.constant 768 : i32
      %dma_start3A_623 = arith.constant 0 : i32
      %dma_start3A_624 = tpu.memref_slice %arg6[%dma_start3A_622, %dma_start3A_623] : memref<1280x32xf32, #tpu.memory_space<vmem>> -> memref<128x32xf32, #tpu.memory_space<vmem>>
      %dma_start3A_625 = arith.constant 0 : i32
      %dma_start3A_626 = tpu.memref_slice %arg5[%add3A_621, %dma_start3A_625] : memref<200x128xi32, #tpu.memory_space<vmem>> -> memref<1x128xi32, #tpu.memory_space<vmem>>
      %dma_start3A_627 = tpu.memref_squeeze %dma_start3A_626 : memref<1x128xi32, #tpu.memory_space<vmem>> -> memref<128xi32, #tpu.memory_space<vmem>>
      %dma_start3A_628 = arith.constant 0 : i32
      %dma_start3A_629 = arith.constant 0 : i32
      %dma_start3A_630 = tpu.memref_slice %arg3[%dma_start3A_628, %dma_start3A_629] : memref<1000001x32xf32, #tpu.memory_space<hbm>> -> memref<1000001x32xf32, #tpu.memory_space<hbm>>
      tpu.enqueue_indirect_dma source(%dma_start3A_630 : memref<1000001x32xf32, #tpu.memory_space<hbm>>) target(%dma_start3A_624 : memref<128x32xf32, #tpu.memory_space<vmem>>) offsets(%dma_start3A_627 : memref<128xi32, #tpu.memory_space<vmem>>) semaphore(%arg8 : memref<!tpu.dma_semaphore, #tpu.memory_space<semaphore_mem>>)
      %mul3A_631 = arith.constant 10 : i32
      %mul3A_632 = arith.muli %add3A_539, %mul3A_631 : i32
      %add3A_633 = arith.constant 7 : i32
      %add3A_634 = arith.addi %mul3A_632, %add3A_633 : i32
      %dma_start3A_635 = arith.constant 896 : i32
      %dma_start3A_636 = arith.constant 0 : i32
      %dma_start3A_637 = tpu.memref_slice %arg6[%dma_start3A_635, %dma_start3A_636] : memref<1280x32xf32, #tpu.memory_space<vmem>> -> memref<128x32xf32, #tpu.memory_space<vmem>>
      %dma_start3A_638 = arith.constant 0 : i32
      %dma_start3A_639 = tpu.memref_slice %arg5[%add3A_634, %dma_start3A_638] : memref<200x128xi32, #tpu.memory_space<vmem>> -> memref<1x128xi32, #tpu.memory_space<vmem>>
      %dma_start3A_640 = tpu.memref_squeeze %dma_start3A_639 : memref<1x128xi32, #tpu.memory_space<vmem>> -> memref<128xi32, #tpu.memory_space<vmem>>
      %dma_start3A_641 = arith.constant 0 : i32
      %dma_start3A_642 = arith.constant 0 : i32
      %dma_start3A_643 = tpu.memref_slice %arg3[%dma_start3A_641, %dma_start3A_642] : memref<1000001x32xf32, #tpu.memory_space<hbm>> -> memref<1000001x32xf32, #tpu.memory_space<hbm>>
      tpu.enqueue_indirect_dma source(%dma_start3A_643 : memref<1000001x32xf32, #tpu.memory_space<hbm>>) target(%dma_start3A_637 : memref<128x32xf32, #tpu.memory_space<vmem>>) offsets(%dma_start3A_640 : memref<128xi32, #tpu.memory_space<vmem>>) semaphore(%arg8 : memref<!tpu.dma_semaphore, #tpu.memory_space<semaphore_mem>>)
      %mul3A_644 = arith.constant 10 : i32
      %mul3A_645 = arith.muli %add3A_539, %mul3A_644 : i32
      %add3A_646 = arith.constant 8 : i32
      %add3A_647 = arith.addi %mul3A_645, %add3A_646 : i32
      %dma_start3A_648 = arith.constant 1024 : i32
      %dma_start3A_649 = arith.constant 0 : i32
      %dma_start3A_650 = tpu.memref_slice %arg6[%dma_start3A_648, %dma_start3A_649] : memref<1280x32xf32, #tpu.memory_space<vmem>> -> memref<128x32xf32, #tpu.memory_space<vmem>>
      %dma_start3A_651 = arith.constant 0 : i32
      %dma_start3A_652 = tpu.memref_slice %arg5[%add3A_647, %dma_start3A_651] : memref<200x128xi32, #tpu.memory_space<vmem>> -> memref<1x128xi32, #tpu.memory_space<vmem>>
      %dma_start3A_653 = tpu.memref_squeeze %dma_start3A_652 : memref<1x128xi32, #tpu.memory_space<vmem>> -> memref<128xi32, #tpu.memory_space<vmem>>
      %dma_start3A_654 = arith.constant 0 : i32
      %dma_start3A_655 = arith.constant 0 : i32
      %dma_start3A_656 = tpu.memref_slice %arg3[%dma_start3A_654, %dma_start3A_655] : memref<1000001x32xf32, #tpu.memory_space<hbm>> -> memref<1000001x32xf32, #tpu.memory_space<hbm>>
      tpu.enqueue_indirect_dma source(%dma_start3A_656 : memref<1000001x32xf32, #tpu.memory_space<hbm>>) target(%dma_start3A_650 : memref<128x32xf32, #tpu.memory_space<vmem>>) offsets(%dma_start3A_653 : memref<128xi32, #tpu.memory_space<vmem>>) semaphore(%arg8 : memref<!tpu.dma_semaphore, #tpu.memory_space<semaphore_mem>>)
      %mul3A_657 = arith.constant 10 : i32
      %mul3A_658 = arith.muli %add3A_539, %mul3A_657 : i32
      %add3A_659 = arith.constant 9 : i32
      %add3A_660 = arith.addi %mul3A_658, %add3A_659 : i32
      %dma_start3A_661 = arith.constant 1152 : i32
      %dma_start3A_662 = arith.constant 0 : i32
      %dma_start3A_663 = tpu.memref_slice %arg6[%dma_start3A_661, %dma_start3A_662] : memref<1280x32xf32, #tpu.memory_space<vmem>> -> memref<128x32xf32, #tpu.memory_space<vmem>>
      %dma_start3A_664 = arith.constant 0 : i32
      %dma_start3A_665 = tpu.memref_slice %arg5[%add3A_660, %dma_start3A_664] : memref<200x128xi32, #tpu.memory_space<vmem>> -> memref<1x128xi32, #tpu.memory_space<vmem>>
      %dma_start3A_666 = tpu.memref_squeeze %dma_start3A_665 : memref<1x128xi32, #tpu.memory_space<vmem>> -> memref<128xi32, #tpu.memory_space<vmem>>
      %dma_start3A_667 = arith.constant 0 : i32
      %dma_start3A_668 = arith.constant 0 : i32
      %dma_start3A_669 = tpu.memref_slice %arg3[%dma_start3A_667, %dma_start3A_668] : memref<1000001x32xf32, #tpu.memory_space<hbm>> -> memref<1000001x32xf32, #tpu.memory_space<hbm>>
      tpu.enqueue_indirect_dma source(%dma_start3A_669 : memref<1000001x32xf32, #tpu.memory_space<hbm>>) target(%dma_start3A_663 : memref<128x32xf32, #tpu.memory_space<vmem>>) offsets(%dma_start3A_666 : memref<128xi32, #tpu.memory_space<vmem>>) semaphore(%arg8 : memref<!tpu.dma_semaphore, #tpu.memory_space<semaphore_mem>>)
      %add3A_670 = arith.constant 1 : i32
      %add3A_671 = arith.addi %mul3A_407, %add3A_670 : i32
      %mul3A_672 = arith.constant 10 : i32
      %mul3A_673 = arith.muli %add3A_671, %mul3A_672 : i32
      %add3A_674 = arith.constant 0 : i32
      %add3A_675 = arith.addi %mul3A_673, %add3A_674 : i32
      %dma_wait3A_676 = arith.constant 0 : i32
      %dma_wait3A_677 = arith.constant 0 : i32
      %dma_wait3A_678 = tpu.memref_slice %arg7[%dma_wait3A_676, %dma_wait3A_677] : memref<1280x32xf32, #tpu.memory_space<vmem>> -> memref<128x32xf32, #tpu.memory_space<vmem>>
      %dma_wait3A_679 = arith.constant 0 : i32
      %dma_wait3A_680 = tpu.memref_slice %arg5[%add3A_675, %dma_wait3A_679] : memref<200x128xi32, #tpu.memory_space<vmem>> -> memref<1x128xi32, #tpu.memory_space<vmem>>
      %dma_wait3A_681 = tpu.memref_squeeze %dma_wait3A_680 : memref<1x128xi32, #tpu.memory_space<vmem>> -> memref<128xi32, #tpu.memory_space<vmem>>
      %dma_wait3A_682 = arith.constant 0 : i32
      %dma_wait3A_683 = arith.constant 0 : i32
      %dma_wait3A_684 = tpu.memref_slice %arg3[%dma_wait3A_682, %dma_wait3A_683] : memref<1000001x32xf32, #tpu.memory_space<hbm>> -> memref<1000001x32xf32, #tpu.memory_space<hbm>>
      tpu.wait_indirect_dma semaphore(%arg8 : memref<!tpu.dma_semaphore, #tpu.memory_space<semaphore_mem>>) src(%dma_wait3A_684 : memref<1000001x32xf32, #tpu.memory_space<hbm>>) dst(%dma_wait3A_678 : memref<128x32xf32, #tpu.memory_space<vmem>>)
      %mul3A_685 = arith.constant 10 : i32
      %mul3A_686 = arith.muli %add3A_671, %mul3A_685 : i32
      %add3A_687 = arith.constant 1 : i32
      %add3A_688 = arith.addi %mul3A_686, %add3A_687 : i32
      %dma_wait3A_689 = arith.constant 128 : i32
      %dma_wait3A_690 = arith.constant 0 : i32
      %dma_wait3A_691 = tpu.memref_slice %arg7[%dma_wait3A_689, %dma_wait3A_690] : memref<1280x32xf32, #tpu.memory_space<vmem>> -> memref<128x32xf32, #tpu.memory_space<vmem>>
      %dma_wait3A_692 = arith.constant 0 : i32
      %dma_wait3A_693 = tpu.memref_slice %arg5[%add3A_688, %dma_wait3A_692] : memref<200x128xi32, #tpu.memory_space<vmem>> -> memref<1x128xi32, #tpu.memory_space<vmem>>
      %dma_wait3A_694 = tpu.memref_squeeze %dma_wait3A_693 : memref<1x128xi32, #tpu.memory_space<vmem>> -> memref<128xi32, #tpu.memory_space<vmem>>
      %dma_wait3A_695 = arith.constant 0 : i32
      %dma_wait3A_696 = arith.constant 0 : i32
      %dma_wait3A_697 = tpu.memref_slice %arg3[%dma_wait3A_695, %dma_wait3A_696] : memref<1000001x32xf32, #tpu.memory_space<hbm>> -> memref<1000001x32xf32, #tpu.memory_space<hbm>>
      tpu.wait_indirect_dma semaphore(%arg8 : memref<!tpu.dma_semaphore, #tpu.memory_space<semaphore_mem>>) src(%dma_wait3A_697 : memref<1000001x32xf32, #tpu.memory_space<hbm>>) dst(%dma_wait3A_691 : memref<128x32xf32, #tpu.memory_space<vmem>>)
      %mul3A_698 = arith.constant 10 : i32
      %mul3A_699 = arith.muli %add3A_671, %mul3A_698 : i32
      %add3A_700 = arith.constant 2 : i32
      %add3A_701 = arith.addi %mul3A_699, %add3A_700 : i32
      %dma_wait3A_702 = arith.constant 256 : i32
      %dma_wait3A_703 = arith.constant 0 : i32
      %dma_wait3A_704 = tpu.memref_slice %arg7[%dma_wait3A_702, %dma_wait3A_703] : memref<1280x32xf32, #tpu.memory_space<vmem>> -> memref<128x32xf32, #tpu.memory_space<vmem>>
      %dma_wait3A_705 = arith.constant 0 : i32
      %dma_wait3A_706 = tpu.memref_slice %arg5[%add3A_701, %dma_wait3A_705] : memref<200x128xi32, #tpu.memory_space<vmem>> -> memref<1x128xi32, #tpu.memory_space<vmem>>
      %dma_wait3A_707 = tpu.memref_squeeze %dma_wait3A_706 : memref<1x128xi32, #tpu.memory_space<vmem>> -> memref<128xi32, #tpu.memory_space<vmem>>
      %dma_wait3A_708 = arith.constant 0 : i32
      %dma_wait3A_709 = arith.constant 0 : i32
      %dma_wait3A_710 = tpu.memref_slice %arg3[%dma_wait3A_708, %dma_wait3A_709] : memref<1000001x32xf32, #tpu.memory_space<hbm>> -> memref<1000001x32xf32, #tpu.memory_space<hbm>>
      tpu.wait_indirect_dma semaphore(%arg8 : memref<!tpu.dma_semaphore, #tpu.memory_space<semaphore_mem>>) src(%dma_wait3A_710 : memref<1000001x32xf32, #tpu.memory_space<hbm>>) dst(%dma_wait3A_704 : memref<128x32xf32, #tpu.memory_space<vmem>>)
      %mul3A_711 = arith.constant 10 : i32
      %mul3A_712 = arith.muli %add3A_671, %mul3A_711 : i32
      %add3A_713 = arith.constant 3 : i32
      %add3A_714 = arith.addi %mul3A_712, %add3A_713 : i32
      %dma_wait3A_715 = arith.constant 384 : i32
      %dma_wait3A_716 = arith.constant 0 : i32
      %dma_wait3A_717 = tpu.memref_slice %arg7[%dma_wait3A_715, %dma_wait3A_716] : memref<1280x32xf32, #tpu.memory_space<vmem>> -> memref<128x32xf32, #tpu.memory_space<vmem>>
      %dma_wait3A_718 = arith.constant 0 : i32
      %dma_wait3A_719 = tpu.memref_slice %arg5[%add3A_714, %dma_wait3A_718] : memref<200x128xi32, #tpu.memory_space<vmem>> -> memref<1x128xi32, #tpu.memory_space<vmem>>
      %dma_wait3A_720 = tpu.memref_squeeze %dma_wait3A_719 : memref<1x128xi32, #tpu.memory_space<vmem>> -> memref<128xi32, #tpu.memory_space<vmem>>
      %dma_wait3A_721 = arith.constant 0 : i32
      %dma_wait3A_722 = arith.constant 0 : i32
      %dma_wait3A_723 = tpu.memref_slice %arg3[%dma_wait3A_721, %dma_wait3A_722] : memref<1000001x32xf32, #tpu.memory_space<hbm>> -> memref<1000001x32xf32, #tpu.memory_space<hbm>>
      tpu.wait_indirect_dma semaphore(%arg8 : memref<!tpu.dma_semaphore, #tpu.memory_space<semaphore_mem>>) src(%dma_wait3A_723 : memref<1000001x32xf32, #tpu.memory_space<hbm>>) dst(%dma_wait3A_717 : memref<128x32xf32, #tpu.memory_space<vmem>>)
      %mul3A_724 = arith.constant 10 : i32
      %mul3A_725 = arith.muli %add3A_671, %mul3A_724 : i32
      %add3A_726 = arith.constant 4 : i32
      %add3A_727 = arith.addi %mul3A_725, %add3A_726 : i32
      %dma_wait3A_728 = arith.constant 512 : i32
      %dma_wait3A_729 = arith.constant 0 : i32
      %dma_wait3A_730 = tpu.memref_slice %arg7[%dma_wait3A_728, %dma_wait3A_729] : memref<1280x32xf32, #tpu.memory_space<vmem>> -> memref<128x32xf32, #tpu.memory_space<vmem>>
      %dma_wait3A_731 = arith.constant 0 : i32
      %dma_wait3A_732 = tpu.memref_slice %arg5[%add3A_727, %dma_wait3A_731] : memref<200x128xi32, #tpu.memory_space<vmem>> -> memref<1x128xi32, #tpu.memory_space<vmem>>
      %dma_wait3A_733 = tpu.memref_squeeze %dma_wait3A_732 : memref<1x128xi32, #tpu.memory_space<vmem>> -> memref<128xi32, #tpu.memory_space<vmem>>
      %dma_wait3A_734 = arith.constant 0 : i32
      %dma_wait3A_735 = arith.constant 0 : i32
      %dma_wait3A_736 = tpu.memref_slice %arg3[%dma_wait3A_734, %dma_wait3A_735] : memref<1000001x32xf32, #tpu.memory_space<hbm>> -> memref<1000001x32xf32, #tpu.memory_space<hbm>>
      tpu.wait_indirect_dma semaphore(%arg8 : memref<!tpu.dma_semaphore, #tpu.memory_space<semaphore_mem>>) src(%dma_wait3A_736 : memref<1000001x32xf32, #tpu.memory_space<hbm>>) dst(%dma_wait3A_730 : memref<128x32xf32, #tpu.memory_space<vmem>>)
      %mul3A_737 = arith.constant 10 : i32
      %mul3A_738 = arith.muli %add3A_671, %mul3A_737 : i32
      %add3A_739 = arith.constant 5 : i32
      %add3A_740 = arith.addi %mul3A_738, %add3A_739 : i32
      %dma_wait3A_741 = arith.constant 640 : i32
      %dma_wait3A_742 = arith.constant 0 : i32
      %dma_wait3A_743 = tpu.memref_slice %arg7[%dma_wait3A_741, %dma_wait3A_742] : memref<1280x32xf32, #tpu.memory_space<vmem>> -> memref<128x32xf32, #tpu.memory_space<vmem>>
      %dma_wait3A_744 = arith.constant 0 : i32
      %dma_wait3A_745 = tpu.memref_slice %arg5[%add3A_740, %dma_wait3A_744] : memref<200x128xi32, #tpu.memory_space<vmem>> -> memref<1x128xi32, #tpu.memory_space<vmem>>
      %dma_wait3A_746 = tpu.memref_squeeze %dma_wait3A_745 : memref<1x128xi32, #tpu.memory_space<vmem>> -> memref<128xi32, #tpu.memory_space<vmem>>
      %dma_wait3A_747 = arith.constant 0 : i32
      %dma_wait3A_748 = arith.constant 0 : i32
      %dma_wait3A_749 = tpu.memref_slice %arg3[%dma_wait3A_747, %dma_wait3A_748] : memref<1000001x32xf32, #tpu.memory_space<hbm>> -> memref<1000001x32xf32, #tpu.memory_space<hbm>>
      tpu.wait_indirect_dma semaphore(%arg8 : memref<!tpu.dma_semaphore, #tpu.memory_space<semaphore_mem>>) src(%dma_wait3A_749 : memref<1000001x32xf32, #tpu.memory_space<hbm>>) dst(%dma_wait3A_743 : memref<128x32xf32, #tpu.memory_space<vmem>>)
      %mul3A_750 = arith.constant 10 : i32
      %mul3A_751 = arith.muli %add3A_671, %mul3A_750 : i32
      %add3A_752 = arith.constant 6 : i32
      %add3A_753 = arith.addi %mul3A_751, %add3A_752 : i32
      %dma_wait3A_754 = arith.constant 768 : i32
      %dma_wait3A_755 = arith.constant 0 : i32
      %dma_wait3A_756 = tpu.memref_slice %arg7[%dma_wait3A_754, %dma_wait3A_755] : memref<1280x32xf32, #tpu.memory_space<vmem>> -> memref<128x32xf32, #tpu.memory_space<vmem>>
      %dma_wait3A_757 = arith.constant 0 : i32
      %dma_wait3A_758 = tpu.memref_slice %arg5[%add3A_753, %dma_wait3A_757] : memref<200x128xi32, #tpu.memory_space<vmem>> -> memref<1x128xi32, #tpu.memory_space<vmem>>
      %dma_wait3A_759 = tpu.memref_squeeze %dma_wait3A_758 : memref<1x128xi32, #tpu.memory_space<vmem>> -> memref<128xi32, #tpu.memory_space<vmem>>
      %dma_wait3A_760 = arith.constant 0 : i32
      %dma_wait3A_761 = arith.constant 0 : i32
      %dma_wait3A_762 = tpu.memref_slice %arg3[%dma_wait3A_760, %dma_wait3A_761] : memref<1000001x32xf32, #tpu.memory_space<hbm>> -> memref<1000001x32xf32, #tpu.memory_space<hbm>>
      tpu.wait_indirect_dma semaphore(%arg8 : memref<!tpu.dma_semaphore, #tpu.memory_space<semaphore_mem>>) src(%dma_wait3A_762 : memref<1000001x32xf32, #tpu.memory_space<hbm>>) dst(%dma_wait3A_756 : memref<128x32xf32, #tpu.memory_space<vmem>>)
      %mul3A_763 = arith.constant 10 : i32
      %mul3A_764 = arith.muli %add3A_671, %mul3A_763 : i32
      %add3A_765 = arith.constant 7 : i32
      %add3A_766 = arith.addi %mul3A_764, %add3A_765 : i32
      %dma_wait3A_767 = arith.constant 896 : i32
      %dma_wait3A_768 = arith.constant 0 : i32
      %dma_wait3A_769 = tpu.memref_slice %arg7[%dma_wait3A_767, %dma_wait3A_768] : memref<1280x32xf32, #tpu.memory_space<vmem>> -> memref<128x32xf32, #tpu.memory_space<vmem>>
      %dma_wait3A_770 = arith.constant 0 : i32
      %dma_wait3A_771 = tpu.memref_slice %arg5[%add3A_766, %dma_wait3A_770] : memref<200x128xi32, #tpu.memory_space<vmem>> -> memref<1x128xi32, #tpu.memory_space<vmem>>
      %dma_wait3A_772 = tpu.memref_squeeze %dma_wait3A_771 : memref<1x128xi32, #tpu.memory_space<vmem>> -> memref<128xi32, #tpu.memory_space<vmem>>
      %dma_wait3A_773 = arith.constant 0 : i32
      %dma_wait3A_774 = arith.constant 0 : i32
      %dma_wait3A_775 = tpu.memref_slice %arg3[%dma_wait3A_773, %dma_wait3A_774] : memref<1000001x32xf32, #tpu.memory_space<hbm>> -> memref<1000001x32xf32, #tpu.memory_space<hbm>>
      tpu.wait_indirect_dma semaphore(%arg8 : memref<!tpu.dma_semaphore, #tpu.memory_space<semaphore_mem>>) src(%dma_wait3A_775 : memref<1000001x32xf32, #tpu.memory_space<hbm>>) dst(%dma_wait3A_769 : memref<128x32xf32, #tpu.memory_space<vmem>>)
      %mul3A_776 = arith.constant 10 : i32
      %mul3A_777 = arith.muli %add3A_671, %mul3A_776 : i32
      %add3A_778 = arith.constant 8 : i32
      %add3A_779 = arith.addi %mul3A_777, %add3A_778 : i32
      %dma_wait3A_780 = arith.constant 1024 : i32
      %dma_wait3A_781 = arith.constant 0 : i32
      %dma_wait3A_782 = tpu.memref_slice %arg7[%dma_wait3A_780, %dma_wait3A_781] : memref<1280x32xf32, #tpu.memory_space<vmem>> -> memref<128x32xf32, #tpu.memory_space<vmem>>
      %dma_wait3A_783 = arith.constant 0 : i32
      %dma_wait3A_784 = tpu.memref_slice %arg5[%add3A_779, %dma_wait3A_783] : memref<200x128xi32, #tpu.memory_space<vmem>> -> memref<1x128xi32, #tpu.memory_space<vmem>>
      %dma_wait3A_785 = tpu.memref_squeeze %dma_wait3A_784 : memref<1x128xi32, #tpu.memory_space<vmem>> -> memref<128xi32, #tpu.memory_space<vmem>>
      %dma_wait3A_786 = arith.constant 0 : i32
      %dma_wait3A_787 = arith.constant 0 : i32
      %dma_wait3A_788 = tpu.memref_slice %arg3[%dma_wait3A_786, %dma_wait3A_787] : memref<1000001x32xf32, #tpu.memory_space<hbm>> -> memref<1000001x32xf32, #tpu.memory_space<hbm>>
      tpu.wait_indirect_dma semaphore(%arg8 : memref<!tpu.dma_semaphore, #tpu.memory_space<semaphore_mem>>) src(%dma_wait3A_788 : memref<1000001x32xf32, #tpu.memory_space<hbm>>) dst(%dma_wait3A_782 : memref<128x32xf32, #tpu.memory_space<vmem>>)
      %mul3A_789 = arith.constant 10 : i32
      %mul3A_790 = arith.muli %add3A_671, %mul3A_789 : i32
      %add3A_791 = arith.constant 9 : i32
      %add3A_792 = arith.addi %mul3A_790, %add3A_791 : i32
      %dma_wait3A_793 = arith.constant 1152 : i32
      %dma_wait3A_794 = arith.constant 0 : i32
      %dma_wait3A_795 = tpu.memref_slice %arg7[%dma_wait3A_793, %dma_wait3A_794] : memref<1280x32xf32, #tpu.memory_space<vmem>> -> memref<128x32xf32, #tpu.memory_space<vmem>>
      %dma_wait3A_796 = arith.constant 0 : i32
      %dma_wait3A_797 = tpu.memref_slice %arg5[%add3A_792, %dma_wait3A_796] : memref<200x128xi32, #tpu.memory_space<vmem>> -> memref<1x128xi32, #tpu.memory_space<vmem>>
      %dma_wait3A_798 = tpu.memref_squeeze %dma_wait3A_797 : memref<1x128xi32, #tpu.memory_space<vmem>> -> memref<128xi32, #tpu.memory_space<vmem>>
      %dma_wait3A_799 = arith.constant 0 : i32
      %dma_wait3A_800 = arith.constant 0 : i32
      %dma_wait3A_801 = tpu.memref_slice %arg3[%dma_wait3A_799, %dma_wait3A_800] : memref<1000001x32xf32, #tpu.memory_space<hbm>> -> memref<1000001x32xf32, #tpu.memory_space<hbm>>
      tpu.wait_indirect_dma semaphore(%arg8 : memref<!tpu.dma_semaphore, #tpu.memory_space<semaphore_mem>>) src(%dma_wait3A_801 : memref<1000001x32xf32, #tpu.memory_space<hbm>>) dst(%dma_wait3A_795 : memref<128x32xf32, #tpu.memory_space<vmem>>)
      %add3A_802 = arith.constant 1 : i32
      %add3A_803 = arith.addi %mul3A_407, %add3A_802 : i32
      "tpu.region"() ({
        %run_scoped3A_936 = tpu.sem_alloc : memref<!tpu.dma_semaphore, #tpu.memory_space<semaphore_mem>>
        %dma_start3A_937 = arith.constant 0 : i32
        %dma_start3A_938 = arith.constant 0 : i32
        %dma_start3A_939 = tpu.memref_slice %arg4[%add3A, %add3A_803, %dma_start3A_937, %dma_start3A_938] : memref<32x20x1280x32xf32, #tpu.memory_space<hbm>> -> memref<1x1x1280x32xf32, #tpu.memory_space<hbm>>
        %dma_start3A_940 = tpu.memref_squeeze %dma_start3A_939 : memref<1x1x1280x32xf32, #tpu.memory_space<hbm>> -> memref<1280x32xf32, #tpu.memory_space<hbm>>
        %dma_start3A_941 = arith.constant 0 : i32
        %dma_start3A_942 = arith.constant 0 : i32
        %dma_start3A_943 = tpu.memref_slice %arg4[%add3A, %add3A_803, %dma_start3A_941, %dma_start3A_942] : memref<32x20x1280x32xf32, #tpu.memory_space<hbm>> -> memref<1x1x1280x32xf32, #tpu.memory_space<hbm>>
        %dma_start3A_944 = tpu.memref_squeeze %dma_start3A_943 : memref<1x1x1280x32xf32, #tpu.memory_space<hbm>> -> memref<1280x32xf32, #tpu.memory_space<hbm>>
        tpu.enqueue_dma source(%arg7 : memref<1280x32xf32, #tpu.memory_space<vmem>>) target(%dma_start3A_944 : memref<1280x32xf32, #tpu.memory_space<hbm>>) target_semaphore(%run_scoped3A_936 : memref<!tpu.dma_semaphore, #tpu.memory_space<semaphore_mem>>)
        %dma_wait3A_945 = arith.constant 0 : i32
        %dma_wait3A_946 = arith.constant 0 : i32
        %dma_wait3A_947 = tpu.memref_slice %arg4[%add3A, %add3A_803, %dma_wait3A_945, %dma_wait3A_946] : memref<32x20x1280x32xf32, #tpu.memory_space<hbm>> -> memref<1x1x1280x32xf32, #tpu.memory_space<hbm>>
        %dma_wait3A_948 = tpu.memref_squeeze %dma_wait3A_947 : memref<1x1x1280x32xf32, #tpu.memory_space<hbm>> -> memref<1280x32xf32, #tpu.memory_space<hbm>>
        %dma_wait3A_949 = arith.constant 0 : i32
        %dma_wait3A_950 = arith.constant 0 : i32
        %dma_wait3A_951 = tpu.memref_slice %arg4[%add3A, %add3A_803, %dma_wait3A_949, %dma_wait3A_950] : memref<32x20x1280x32xf32, #tpu.memory_space<hbm>> -> memref<1x1x1280x32xf32, #tpu.memory_space<hbm>>
        %dma_wait3A_952 = tpu.memref_squeeze %dma_wait3A_951 : memref<1x1x1280x32xf32, #tpu.memory_space<hbm>> -> memref<1280x32xf32, #tpu.memory_space<hbm>>
        tpu.wait_dma2 semaphore(%run_scoped3A_936 : memref<!tpu.dma_semaphore, #tpu.memory_space<semaphore_mem>>) src(%arg7 : memref<1280x32xf32, #tpu.memory_space<vmem>>) dst(%dma_wait3A_952 : memref<1280x32xf32, #tpu.memory_space<hbm>>)
        tpu.yield
      }) : () -> ()
      %add3A_804 = arith.constant 3 : i32
      %add3A_805 = arith.addi %mul3A_407, %add3A_804 : i32
      %mul3A_806 = arith.constant 10 : i32
      %mul3A_807 = arith.muli %add3A_805, %mul3A_806 : i32
      %add3A_808 = arith.constant 0 : i32
      %add3A_809 = arith.addi %mul3A_807, %add3A_808 : i32
      %dma_start3A_810 = arith.constant 0 : i32
      %dma_start3A_811 = arith.constant 0 : i32
      %dma_start3A_812 = tpu.memref_slice %arg7[%dma_start3A_810, %dma_start3A_811] : memref<1280x32xf32, #tpu.memory_space<vmem>> -> memref<128x32xf32, #tpu.memory_space<vmem>>
      %dma_start3A_813 = arith.constant 0 : i32
      %dma_start3A_814 = tpu.memref_slice %arg5[%add3A_809, %dma_start3A_813] : memref<200x128xi32, #tpu.memory_space<vmem>> -> memref<1x128xi32, #tpu.memory_space<vmem>>
      %dma_start3A_815 = tpu.memref_squeeze %dma_start3A_814 : memref<1x128xi32, #tpu.memory_space<vmem>> -> memref<128xi32, #tpu.memory_space<vmem>>
      %dma_start3A_816 = arith.constant 0 : i32
      %dma_start3A_817 = arith.constant 0 : i32
      %dma_start3A_818 = tpu.memref_slice %arg3[%dma_start3A_816, %dma_start3A_817] : memref<1000001x32xf32, #tpu.memory_space<hbm>> -> memref<1000001x32xf32, #tpu.memory_space<hbm>>
      tpu.enqueue_indirect_dma source(%dma_start3A_818 : memref<1000001x32xf32, #tpu.memory_space<hbm>>) target(%dma_start3A_812 : memref<128x32xf32, #tpu.memory_space<vmem>>) offsets(%dma_start3A_815 : memref<128xi32, #tpu.memory_space<vmem>>) semaphore(%arg8 : memref<!tpu.dma_semaphore, #tpu.memory_space<semaphore_mem>>)
      %mul3A_819 = arith.constant 10 : i32
      %mul3A_820 = arith.muli %add3A_805, %mul3A_819 : i32
      %add3A_821 = arith.constant 1 : i32
      %add3A_822 = arith.addi %mul3A_820, %add3A_821 : i32
      %dma_start3A_823 = arith.constant 128 : i32
      %dma_start3A_824 = arith.constant 0 : i32
      %dma_start3A_825 = tpu.memref_slice %arg7[%dma_start3A_823, %dma_start3A_824] : memref<1280x32xf32, #tpu.memory_space<vmem>> -> memref<128x32xf32, #tpu.memory_space<vmem>>
      %dma_start3A_826 = arith.constant 0 : i32
      %dma_start3A_827 = tpu.memref_slice %arg5[%add3A_822, %dma_start3A_826] : memref<200x128xi32, #tpu.memory_space<vmem>> -> memref<1x128xi32, #tpu.memory_space<vmem>>
      %dma_start3A_828 = tpu.memref_squeeze %dma_start3A_827 : memref<1x128xi32, #tpu.memory_space<vmem>> -> memref<128xi32, #tpu.memory_space<vmem>>
      %dma_start3A_829 = arith.constant 0 : i32
      %dma_start3A_830 = arith.constant 0 : i32
      %dma_start3A_831 = tpu.memref_slice %arg3[%dma_start3A_829, %dma_start3A_830] : memref<1000001x32xf32, #tpu.memory_space<hbm>> -> memref<1000001x32xf32, #tpu.memory_space<hbm>>
      tpu.enqueue_indirect_dma source(%dma_start3A_831 : memref<1000001x32xf32, #tpu.memory_space<hbm>>) target(%dma_start3A_825 : memref<128x32xf32, #tpu.memory_space<vmem>>) offsets(%dma_start3A_828 : memref<128xi32, #tpu.memory_space<vmem>>) semaphore(%arg8 : memref<!tpu.dma_semaphore, #tpu.memory_space<semaphore_mem>>)
      %mul3A_832 = arith.constant 10 : i32
      %mul3A_833 = arith.muli %add3A_805, %mul3A_832 : i32
      %add3A_834 = arith.constant 2 : i32
      %add3A_835 = arith.addi %mul3A_833, %add3A_834 : i32
      %dma_start3A_836 = arith.constant 256 : i32
      %dma_start3A_837 = arith.constant 0 : i32
      %dma_start3A_838 = tpu.memref_slice %arg7[%dma_start3A_836, %dma_start3A_837] : memref<1280x32xf32, #tpu.memory_space<vmem>> -> memref<128x32xf32, #tpu.memory_space<vmem>>
      %dma_start3A_839 = arith.constant 0 : i32
      %dma_start3A_840 = tpu.memref_slice %arg5[%add3A_835, %dma_start3A_839] : memref<200x128xi32, #tpu.memory_space<vmem>> -> memref<1x128xi32, #tpu.memory_space<vmem>>
      %dma_start3A_841 = tpu.memref_squeeze %dma_start3A_840 : memref<1x128xi32, #tpu.memory_space<vmem>> -> memref<128xi32, #tpu.memory_space<vmem>>
      %dma_start3A_842 = arith.constant 0 : i32
      %dma_start3A_843 = arith.constant 0 : i32
      %dma_start3A_844 = tpu.memref_slice %arg3[%dma_start3A_842, %dma_start3A_843] : memref<1000001x32xf32, #tpu.memory_space<hbm>> -> memref<1000001x32xf32, #tpu.memory_space<hbm>>
      tpu.enqueue_indirect_dma source(%dma_start3A_844 : memref<1000001x32xf32, #tpu.memory_space<hbm>>) target(%dma_start3A_838 : memref<128x32xf32, #tpu.memory_space<vmem>>) offsets(%dma_start3A_841 : memref<128xi32, #tpu.memory_space<vmem>>) semaphore(%arg8 : memref<!tpu.dma_semaphore, #tpu.memory_space<semaphore_mem>>)
      %mul3A_845 = arith.constant 10 : i32
      %mul3A_846 = arith.muli %add3A_805, %mul3A_845 : i32
      %add3A_847 = arith.constant 3 : i32
      %add3A_848 = arith.addi %mul3A_846, %add3A_847 : i32
      %dma_start3A_849 = arith.constant 384 : i32
      %dma_start3A_850 = arith.constant 0 : i32
      %dma_start3A_851 = tpu.memref_slice %arg7[%dma_start3A_849, %dma_start3A_850] : memref<1280x32xf32, #tpu.memory_space<vmem>> -> memref<128x32xf32, #tpu.memory_space<vmem>>
      %dma_start3A_852 = arith.constant 0 : i32
      %dma_start3A_853 = tpu.memref_slice %arg5[%add3A_848, %dma_start3A_852] : memref<200x128xi32, #tpu.memory_space<vmem>> -> memref<1x128xi32, #tpu.memory_space<vmem>>
      %dma_start3A_854 = tpu.memref_squeeze %dma_start3A_853 : memref<1x128xi32, #tpu.memory_space<vmem>> -> memref<128xi32, #tpu.memory_space<vmem>>
      %dma_start3A_855 = arith.constant 0 : i32
      %dma_start3A_856 = arith.constant 0 : i32
      %dma_start3A_857 = tpu.memref_slice %arg3[%dma_start3A_855, %dma_start3A_856] : memref<1000001x32xf32, #tpu.memory_space<hbm>> -> memref<1000001x32xf32, #tpu.memory_space<hbm>>
      tpu.enqueue_indirect_dma source(%dma_start3A_857 : memref<1000001x32xf32, #tpu.memory_space<hbm>>) target(%dma_start3A_851 : memref<128x32xf32, #tpu.memory_space<vmem>>) offsets(%dma_start3A_854 : memref<128xi32, #tpu.memory_space<vmem>>) semaphore(%arg8 : memref<!tpu.dma_semaphore, #tpu.memory_space<semaphore_mem>>)
      %mul3A_858 = arith.constant 10 : i32
      %mul3A_859 = arith.muli %add3A_805, %mul3A_858 : i32
      %add3A_860 = arith.constant 4 : i32
      %add3A_861 = arith.addi %mul3A_859, %add3A_860 : i32
      %dma_start3A_862 = arith.constant 512 : i32
      %dma_start3A_863 = arith.constant 0 : i32
      %dma_start3A_864 = tpu.memref_slice %arg7[%dma_start3A_862, %dma_start3A_863] : memref<1280x32xf32, #tpu.memory_space<vmem>> -> memref<128x32xf32, #tpu.memory_space<vmem>>
      %dma_start3A_865 = arith.constant 0 : i32
      %dma_start3A_866 = tpu.memref_slice %arg5[%add3A_861, %dma_start3A_865] : memref<200x128xi32, #tpu.memory_space<vmem>> -> memref<1x128xi32, #tpu.memory_space<vmem>>
      %dma_start3A_867 = tpu.memref_squeeze %dma_start3A_866 : memref<1x128xi32, #tpu.memory_space<vmem>> -> memref<128xi32, #tpu.memory_space<vmem>>
      %dma_start3A_868 = arith.constant 0 : i32
      %dma_start3A_869 = arith.constant 0 : i32
      %dma_start3A_870 = tpu.memref_slice %arg3[%dma_start3A_868, %dma_start3A_869] : memref<1000001x32xf32, #tpu.memory_space<hbm>> -> memref<1000001x32xf32, #tpu.memory_space<hbm>>
      tpu.enqueue_indirect_dma source(%dma_start3A_870 : memref<1000001x32xf32, #tpu.memory_space<hbm>>) target(%dma_start3A_864 : memref<128x32xf32, #tpu.memory_space<vmem>>) offsets(%dma_start3A_867 : memref<128xi32, #tpu.memory_space<vmem>>) semaphore(%arg8 : memref<!tpu.dma_semaphore, #tpu.memory_space<semaphore_mem>>)
      %mul3A_871 = arith.constant 10 : i32
      %mul3A_872 = arith.muli %add3A_805, %mul3A_871 : i32
      %add3A_873 = arith.constant 5 : i32
      %add3A_874 = arith.addi %mul3A_872, %add3A_873 : i32
      %dma_start3A_875 = arith.constant 640 : i32
      %dma_start3A_876 = arith.constant 0 : i32
      %dma_start3A_877 = tpu.memref_slice %arg7[%dma_start3A_875, %dma_start3A_876] : memref<1280x32xf32, #tpu.memory_space<vmem>> -> memref<128x32xf32, #tpu.memory_space<vmem>>
      %dma_start3A_878 = arith.constant 0 : i32
      %dma_start3A_879 = tpu.memref_slice %arg5[%add3A_874, %dma_start3A_878] : memref<200x128xi32, #tpu.memory_space<vmem>> -> memref<1x128xi32, #tpu.memory_space<vmem>>
      %dma_start3A_880 = tpu.memref_squeeze %dma_start3A_879 : memref<1x128xi32, #tpu.memory_space<vmem>> -> memref<128xi32, #tpu.memory_space<vmem>>
      %dma_start3A_881 = arith.constant 0 : i32
      %dma_start3A_882 = arith.constant 0 : i32
      %dma_start3A_883 = tpu.memref_slice %arg3[%dma_start3A_881, %dma_start3A_882] : memref<1000001x32xf32, #tpu.memory_space<hbm>> -> memref<1000001x32xf32, #tpu.memory_space<hbm>>
      tpu.enqueue_indirect_dma source(%dma_start3A_883 : memref<1000001x32xf32, #tpu.memory_space<hbm>>) target(%dma_start3A_877 : memref<128x32xf32, #tpu.memory_space<vmem>>) offsets(%dma_start3A_880 : memref<128xi32, #tpu.memory_space<vmem>>) semaphore(%arg8 : memref<!tpu.dma_semaphore, #tpu.memory_space<semaphore_mem>>)
      %mul3A_884 = arith.constant 10 : i32
      %mul3A_885 = arith.muli %add3A_805, %mul3A_884 : i32
      %add3A_886 = arith.constant 6 : i32
      %add3A_887 = arith.addi %mul3A_885, %add3A_886 : i32
      %dma_start3A_888 = arith.constant 768 : i32
      %dma_start3A_889 = arith.constant 0 : i32
      %dma_start3A_890 = tpu.memref_slice %arg7[%dma_start3A_888, %dma_start3A_889] : memref<1280x32xf32, #tpu.memory_space<vmem>> -> memref<128x32xf32, #tpu.memory_space<vmem>>
      %dma_start3A_891 = arith.constant 0 : i32
      %dma_start3A_892 = tpu.memref_slice %arg5[%add3A_887, %dma_start3A_891] : memref<200x128xi32, #tpu.memory_space<vmem>> -> memref<1x128xi32, #tpu.memory_space<vmem>>
      %dma_start3A_893 = tpu.memref_squeeze %dma_start3A_892 : memref<1x128xi32, #tpu.memory_space<vmem>> -> memref<128xi32, #tpu.memory_space<vmem>>
      %dma_start3A_894 = arith.constant 0 : i32
      %dma_start3A_895 = arith.constant 0 : i32
      %dma_start3A_896 = tpu.memref_slice %arg3[%dma_start3A_894, %dma_start3A_895] : memref<1000001x32xf32, #tpu.memory_space<hbm>> -> memref<1000001x32xf32, #tpu.memory_space<hbm>>
      tpu.enqueue_indirect_dma source(%dma_start3A_896 : memref<1000001x32xf32, #tpu.memory_space<hbm>>) target(%dma_start3A_890 : memref<128x32xf32, #tpu.memory_space<vmem>>) offsets(%dma_start3A_893 : memref<128xi32, #tpu.memory_space<vmem>>) semaphore(%arg8 : memref<!tpu.dma_semaphore, #tpu.memory_space<semaphore_mem>>)
      %mul3A_897 = arith.constant 10 : i32
      %mul3A_898 = arith.muli %add3A_805, %mul3A_897 : i32
      %add3A_899 = arith.constant 7 : i32
      %add3A_900 = arith.addi %mul3A_898, %add3A_899 : i32
      %dma_start3A_901 = arith.constant 896 : i32
      %dma_start3A_902 = arith.constant 0 : i32
      %dma_start3A_903 = tpu.memref_slice %arg7[%dma_start3A_901, %dma_start3A_902] : memref<1280x32xf32, #tpu.memory_space<vmem>> -> memref<128x32xf32, #tpu.memory_space<vmem>>
      %dma_start3A_904 = arith.constant 0 : i32
      %dma_start3A_905 = tpu.memref_slice %arg5[%add3A_900, %dma_start3A_904] : memref<200x128xi32, #tpu.memory_space<vmem>> -> memref<1x128xi32, #tpu.memory_space<vmem>>
      %dma_start3A_906 = tpu.memref_squeeze %dma_start3A_905 : memref<1x128xi32, #tpu.memory_space<vmem>> -> memref<128xi32, #tpu.memory_space<vmem>>
      %dma_start3A_907 = arith.constant 0 : i32
      %dma_start3A_908 = arith.constant 0 : i32
      %dma_start3A_909 = tpu.memref_slice %arg3[%dma_start3A_907, %dma_start3A_908] : memref<1000001x32xf32, #tpu.memory_space<hbm>> -> memref<1000001x32xf32, #tpu.memory_space<hbm>>
      tpu.enqueue_indirect_dma source(%dma_start3A_909 : memref<1000001x32xf32, #tpu.memory_space<hbm>>) target(%dma_start3A_903 : memref<128x32xf32, #tpu.memory_space<vmem>>) offsets(%dma_start3A_906 : memref<128xi32, #tpu.memory_space<vmem>>) semaphore(%arg8 : memref<!tpu.dma_semaphore, #tpu.memory_space<semaphore_mem>>)
      %mul3A_910 = arith.constant 10 : i32
      %mul3A_911 = arith.muli %add3A_805, %mul3A_910 : i32
      %add3A_912 = arith.constant 8 : i32
      %add3A_913 = arith.addi %mul3A_911, %add3A_912 : i32
      %dma_start3A_914 = arith.constant 1024 : i32
      %dma_start3A_915 = arith.constant 0 : i32
      %dma_start3A_916 = tpu.memref_slice %arg7[%dma_start3A_914, %dma_start3A_915] : memref<1280x32xf32, #tpu.memory_space<vmem>> -> memref<128x32xf32, #tpu.memory_space<vmem>>
      %dma_start3A_917 = arith.constant 0 : i32
      %dma_start3A_918 = tpu.memref_slice %arg5[%add3A_913, %dma_start3A_917] : memref<200x128xi32, #tpu.memory_space<vmem>> -> memref<1x128xi32, #tpu.memory_space<vmem>>
      %dma_start3A_919 = tpu.memref_squeeze %dma_start3A_918 : memref<1x128xi32, #tpu.memory_space<vmem>> -> memref<128xi32, #tpu.memory_space<vmem>>
      %dma_start3A_920 = arith.constant 0 : i32
      %dma_start3A_921 = arith.constant 0 : i32
      %dma_start3A_922 = tpu.memref_slice %arg3[%dma_start3A_920, %dma_start3A_921] : memref<1000001x32xf32, #tpu.memory_space<hbm>> -> memref<1000001x32xf32, #tpu.memory_space<hbm>>
      tpu.enqueue_indirect_dma source(%dma_start3A_922 : memref<1000001x32xf32, #tpu.memory_space<hbm>>) target(%dma_start3A_916 : memref<128x32xf32, #tpu.memory_space<vmem>>) offsets(%dma_start3A_919 : memref<128xi32, #tpu.memory_space<vmem>>) semaphore(%arg8 : memref<!tpu.dma_semaphore, #tpu.memory_space<semaphore_mem>>)
      %mul3A_923 = arith.constant 10 : i32
      %mul3A_924 = arith.muli %add3A_805, %mul3A_923 : i32
      %add3A_925 = arith.constant 9 : i32
      %add3A_926 = arith.addi %mul3A_924, %add3A_925 : i32
      %dma_start3A_927 = arith.constant 1152 : i32
      %dma_start3A_928 = arith.constant 0 : i32
      %dma_start3A_929 = tpu.memref_slice %arg7[%dma_start3A_927, %dma_start3A_928] : memref<1280x32xf32, #tpu.memory_space<vmem>> -> memref<128x32xf32, #tpu.memory_space<vmem>>
      %dma_start3A_930 = arith.constant 0 : i32
      %dma_start3A_931 = tpu.memref_slice %arg5[%add3A_926, %dma_start3A_930] : memref<200x128xi32, #tpu.memory_space<vmem>> -> memref<1x128xi32, #tpu.memory_space<vmem>>
      %dma_start3A_932 = tpu.memref_squeeze %dma_start3A_931 : memref<1x128xi32, #tpu.memory_space<vmem>> -> memref<128xi32, #tpu.memory_space<vmem>>
      %dma_start3A_933 = arith.constant 0 : i32
      %dma_start3A_934 = arith.constant 0 : i32
      %dma_start3A_935 = tpu.memref_slice %arg3[%dma_start3A_933, %dma_start3A_934] : memref<1000001x32xf32, #tpu.memory_space<hbm>> -> memref<1000001x32xf32, #tpu.memory_space<hbm>>
      tpu.enqueue_indirect_dma source(%dma_start3A_935 : memref<1000001x32xf32, #tpu.memory_space<hbm>>) target(%dma_start3A_929 : memref<128x32xf32, #tpu.memory_space<vmem>>) offsets(%dma_start3A_932 : memref<128xi32, #tpu.memory_space<vmem>>) semaphore(%arg8 : memref<!tpu.dma_semaphore, #tpu.memory_space<semaphore_mem>>)
    }
    %scan3A_204 = arith.constant 9 : i32
    %dma_wait3A = arith.constant 180 : i32
    %dma_wait3A_205 = arith.constant 0 : i32
    %dma_wait3A_206 = arith.constant 0 : i32
    %dma_wait3A_207 = tpu.memref_slice %arg6[%dma_wait3A_205, %dma_wait3A_206] : memref<1280x32xf32, #tpu.memory_space<vmem>> -> memref<128x32xf32, #tpu.memory_space<vmem>>
    %dma_wait3A_208 = arith.constant 0 : i32
    %dma_wait3A_209 = tpu.memref_slice %arg5[%dma_wait3A, %dma_wait3A_208] : memref<200x128xi32, #tpu.memory_space<vmem>> -> memref<1x128xi32, #tpu.memory_space<vmem>>
    %dma_wait3A_210 = tpu.memref_squeeze %dma_wait3A_209 : memref<1x128xi32, #tpu.memory_space<vmem>> -> memref<128xi32, #tpu.memory_space<vmem>>
    %dma_wait3A_211 = arith.constant 0 : i32
    %dma_wait3A_212 = arith.constant 0 : i32
    %dma_wait3A_213 = tpu.memref_slice %arg3[%dma_wait3A_211, %dma_wait3A_212] : memref<1000001x32xf32, #tpu.memory_space<hbm>> -> memref<1000001x32xf32, #tpu.memory_space<hbm>>
    tpu.wait_indirect_dma semaphore(%arg8 : memref<!tpu.dma_semaphore, #tpu.memory_space<semaphore_mem>>) src(%dma_wait3A_213 : memref<1000001x32xf32, #tpu.memory_space<hbm>>) dst(%dma_wait3A_207 : memref<128x32xf32, #tpu.memory_space<vmem>>)
    %dma_wait3A_214 = arith.constant 181 : i32
    %dma_wait3A_215 = arith.constant 128 : i32
    %dma_wait3A_216 = arith.constant 0 : i32
    %dma_wait3A_217 = tpu.memref_slice %arg6[%dma_wait3A_215, %dma_wait3A_216] : memref<1280x32xf32, #tpu.memory_space<vmem>> -> memref<128x32xf32, #tpu.memory_space<vmem>>
    %dma_wait3A_218 = arith.constant 0 : i32
    %dma_wait3A_219 = tpu.memref_slice %arg5[%dma_wait3A_214, %dma_wait3A_218] : memref<200x128xi32, #tpu.memory_space<vmem>> -> memref<1x128xi32, #tpu.memory_space<vmem>>
    %dma_wait3A_220 = tpu.memref_squeeze %dma_wait3A_219 : memref<1x128xi32, #tpu.memory_space<vmem>> -> memref<128xi32, #tpu.memory_space<vmem>>
    %dma_wait3A_221 = arith.constant 0 : i32
    %dma_wait3A_222 = arith.constant 0 : i32
    %dma_wait3A_223 = tpu.memref_slice %arg3[%dma_wait3A_221, %dma_wait3A_222] : memref<1000001x32xf32, #tpu.memory_space<hbm>> -> memref<1000001x32xf32, #tpu.memory_space<hbm>>
    tpu.wait_indirect_dma semaphore(%arg8 : memref<!tpu.dma_semaphore, #tpu.memory_space<semaphore_mem>>) src(%dma_wait3A_223 : memref<1000001x32xf32, #tpu.memory_space<hbm>>) dst(%dma_wait3A_217 : memref<128x32xf32, #tpu.memory_space<vmem>>)
    %dma_wait3A_224 = arith.constant 182 : i32
    %dma_wait3A_225 = arith.constant 256 : i32
    %dma_wait3A_226 = arith.constant 0 : i32
    %dma_wait3A_227 = tpu.memref_slice %arg6[%dma_wait3A_225, %dma_wait3A_226] : memref<1280x32xf32, #tpu.memory_space<vmem>> -> memref<128x32xf32, #tpu.memory_space<vmem>>
    %dma_wait3A_228 = arith.constant 0 : i32
    %dma_wait3A_229 = tpu.memref_slice %arg5[%dma_wait3A_224, %dma_wait3A_228] : memref<200x128xi32, #tpu.memory_space<vmem>> -> memref<1x128xi32, #tpu.memory_space<vmem>>
    %dma_wait3A_230 = tpu.memref_squeeze %dma_wait3A_229 : memref<1x128xi32, #tpu.memory_space<vmem>> -> memref<128xi32, #tpu.memory_space<vmem>>
    %dma_wait3A_231 = arith.constant 0 : i32
    %dma_wait3A_232 = arith.constant 0 : i32
    %dma_wait3A_233 = tpu.memref_slice %arg3[%dma_wait3A_231, %dma_wait3A_232] : memref<1000001x32xf32, #tpu.memory_space<hbm>> -> memref<1000001x32xf32, #tpu.memory_space<hbm>>
    tpu.wait_indirect_dma semaphore(%arg8 : memref<!tpu.dma_semaphore, #tpu.memory_space<semaphore_mem>>) src(%dma_wait3A_233 : memref<1000001x32xf32, #tpu.memory_space<hbm>>) dst(%dma_wait3A_227 : memref<128x32xf32, #tpu.memory_space<vmem>>)
    %dma_wait3A_234 = arith.constant 183 : i32
    %dma_wait3A_235 = arith.constant 384 : i32
    %dma_wait3A_236 = arith.constant 0 : i32
    %dma_wait3A_237 = tpu.memref_slice %arg6[%dma_wait3A_235, %dma_wait3A_236] : memref<1280x32xf32, #tpu.memory_space<vmem>> -> memref<128x32xf32, #tpu.memory_space<vmem>>
    %dma_wait3A_238 = arith.constant 0 : i32
    %dma_wait3A_239 = tpu.memref_slice %arg5[%dma_wait3A_234, %dma_wait3A_238] : memref<200x128xi32, #tpu.memory_space<vmem>> -> memref<1x128xi32, #tpu.memory_space<vmem>>
    %dma_wait3A_240 = tpu.memref_squeeze %dma_wait3A_239 : memref<1x128xi32, #tpu.memory_space<vmem>> -> memref<128xi32, #tpu.memory_space<vmem>>
    %dma_wait3A_241 = arith.constant 0 : i32
    %dma_wait3A_242 = arith.constant 0 : i32
    %dma_wait3A_243 = tpu.memref_slice %arg3[%dma_wait3A_241, %dma_wait3A_242] : memref<1000001x32xf32, #tpu.memory_space<hbm>> -> memref<1000001x32xf32, #tpu.memory_space<hbm>>
    tpu.wait_indirect_dma semaphore(%arg8 : memref<!tpu.dma_semaphore, #tpu.memory_space<semaphore_mem>>) src(%dma_wait3A_243 : memref<1000001x32xf32, #tpu.memory_space<hbm>>) dst(%dma_wait3A_237 : memref<128x32xf32, #tpu.memory_space<vmem>>)
    %dma_wait3A_244 = arith.constant 184 : i32
    %dma_wait3A_245 = arith.constant 512 : i32
    %dma_wait3A_246 = arith.constant 0 : i32
    %dma_wait3A_247 = tpu.memref_slice %arg6[%dma_wait3A_245, %dma_wait3A_246] : memref<1280x32xf32, #tpu.memory_space<vmem>> -> memref<128x32xf32, #tpu.memory_space<vmem>>
    %dma_wait3A_248 = arith.constant 0 : i32
    %dma_wait3A_249 = tpu.memref_slice %arg5[%dma_wait3A_244, %dma_wait3A_248] : memref<200x128xi32, #tpu.memory_space<vmem>> -> memref<1x128xi32, #tpu.memory_space<vmem>>
    %dma_wait3A_250 = tpu.memref_squeeze %dma_wait3A_249 : memref<1x128xi32, #tpu.memory_space<vmem>> -> memref<128xi32, #tpu.memory_space<vmem>>
    %dma_wait3A_251 = arith.constant 0 : i32
    %dma_wait3A_252 = arith.constant 0 : i32
    %dma_wait3A_253 = tpu.memref_slice %arg3[%dma_wait3A_251, %dma_wait3A_252] : memref<1000001x32xf32, #tpu.memory_space<hbm>> -> memref<1000001x32xf32, #tpu.memory_space<hbm>>
    tpu.wait_indirect_dma semaphore(%arg8 : memref<!tpu.dma_semaphore, #tpu.memory_space<semaphore_mem>>) src(%dma_wait3A_253 : memref<1000001x32xf32, #tpu.memory_space<hbm>>) dst(%dma_wait3A_247 : memref<128x32xf32, #tpu.memory_space<vmem>>)
    %dma_wait3A_254 = arith.constant 185 : i32
    %dma_wait3A_255 = arith.constant 640 : i32
    %dma_wait3A_256 = arith.constant 0 : i32
    %dma_wait3A_257 = tpu.memref_slice %arg6[%dma_wait3A_255, %dma_wait3A_256] : memref<1280x32xf32, #tpu.memory_space<vmem>> -> memref<128x32xf32, #tpu.memory_space<vmem>>
    %dma_wait3A_258 = arith.constant 0 : i32
    %dma_wait3A_259 = tpu.memref_slice %arg5[%dma_wait3A_254, %dma_wait3A_258] : memref<200x128xi32, #tpu.memory_space<vmem>> -> memref<1x128xi32, #tpu.memory_space<vmem>>
    %dma_wait3A_260 = tpu.memref_squeeze %dma_wait3A_259 : memref<1x128xi32, #tpu.memory_space<vmem>> -> memref<128xi32, #tpu.memory_space<vmem>>
    %dma_wait3A_261 = arith.constant 0 : i32
    %dma_wait3A_262 = arith.constant 0 : i32
    %dma_wait3A_263 = tpu.memref_slice %arg3[%dma_wait3A_261, %dma_wait3A_262] : memref<1000001x32xf32, #tpu.memory_space<hbm>> -> memref<1000001x32xf32, #tpu.memory_space<hbm>>
    tpu.wait_indirect_dma semaphore(%arg8 : memref<!tpu.dma_semaphore, #tpu.memory_space<semaphore_mem>>) src(%dma_wait3A_263 : memref<1000001x32xf32, #tpu.memory_space<hbm>>) dst(%dma_wait3A_257 : memref<128x32xf32, #tpu.memory_space<vmem>>)
    %dma_wait3A_264 = arith.constant 186 : i32
    %dma_wait3A_265 = arith.constant 768 : i32
    %dma_wait3A_266 = arith.constant 0 : i32
    %dma_wait3A_267 = tpu.memref_slice %arg6[%dma_wait3A_265, %dma_wait3A_266] : memref<1280x32xf32, #tpu.memory_space<vmem>> -> memref<128x32xf32, #tpu.memory_space<vmem>>
    %dma_wait3A_268 = arith.constant 0 : i32
    %dma_wait3A_269 = tpu.memref_slice %arg5[%dma_wait3A_264, %dma_wait3A_268] : memref<200x128xi32, #tpu.memory_space<vmem>> -> memref<1x128xi32, #tpu.memory_space<vmem>>
    %dma_wait3A_270 = tpu.memref_squeeze %dma_wait3A_269 : memref<1x128xi32, #tpu.memory_space<vmem>> -> memref<128xi32, #tpu.memory_space<vmem>>
    %dma_wait3A_271 = arith.constant 0 : i32
    %dma_wait3A_272 = arith.constant 0 : i32
    %dma_wait3A_273 = tpu.memref_slice %arg3[%dma_wait3A_271, %dma_wait3A_272] : memref<1000001x32xf32, #tpu.memory_space<hbm>> -> memref<1000001x32xf32, #tpu.memory_space<hbm>>
    tpu.wait_indirect_dma semaphore(%arg8 : memref<!tpu.dma_semaphore, #tpu.memory_space<semaphore_mem>>) src(%dma_wait3A_273 : memref<1000001x32xf32, #tpu.memory_space<hbm>>) dst(%dma_wait3A_267 : memref<128x32xf32, #tpu.memory_space<vmem>>)
    %dma_wait3A_274 = arith.constant 187 : i32
    %dma_wait3A_275 = arith.constant 896 : i32
    %dma_wait3A_276 = arith.constant 0 : i32
    %dma_wait3A_277 = tpu.memref_slice %arg6[%dma_wait3A_275, %dma_wait3A_276] : memref<1280x32xf32, #tpu.memory_space<vmem>> -> memref<128x32xf32, #tpu.memory_space<vmem>>
    %dma_wait3A_278 = arith.constant 0 : i32
    %dma_wait3A_279 = tpu.memref_slice %arg5[%dma_wait3A_274, %dma_wait3A_278] : memref<200x128xi32, #tpu.memory_space<vmem>> -> memref<1x128xi32, #tpu.memory_space<vmem>>
    %dma_wait3A_280 = tpu.memref_squeeze %dma_wait3A_279 : memref<1x128xi32, #tpu.memory_space<vmem>> -> memref<128xi32, #tpu.memory_space<vmem>>
    %dma_wait3A_281 = arith.constant 0 : i32
    %dma_wait3A_282 = arith.constant 0 : i32
    %dma_wait3A_283 = tpu.memref_slice %arg3[%dma_wait3A_281, %dma_wait3A_282] : memref<1000001x32xf32, #tpu.memory_space<hbm>> -> memref<1000001x32xf32, #tpu.memory_space<hbm>>
    tpu.wait_indirect_dma semaphore(%arg8 : memref<!tpu.dma_semaphore, #tpu.memory_space<semaphore_mem>>) src(%dma_wait3A_283 : memref<1000001x32xf32, #tpu.memory_space<hbm>>) dst(%dma_wait3A_277 : memref<128x32xf32, #tpu.memory_space<vmem>>)
    %dma_wait3A_284 = arith.constant 188 : i32
    %dma_wait3A_285 = arith.constant 1024 : i32
    %dma_wait3A_286 = arith.constant 0 : i32
    %dma_wait3A_287 = tpu.memref_slice %arg6[%dma_wait3A_285, %dma_wait3A_286] : memref<1280x32xf32, #tpu.memory_space<vmem>> -> memref<128x32xf32, #tpu.memory_space<vmem>>
    %dma_wait3A_288 = arith.constant 0 : i32
    %dma_wait3A_289 = tpu.memref_slice %arg5[%dma_wait3A_284, %dma_wait3A_288] : memref<200x128xi32, #tpu.memory_space<vmem>> -> memref<1x128xi32, #tpu.memory_space<vmem>>
    %dma_wait3A_290 = tpu.memref_squeeze %dma_wait3A_289 : memref<1x128xi32, #tpu.memory_space<vmem>> -> memref<128xi32, #tpu.memory_space<vmem>>
    %dma_wait3A_291 = arith.constant 0 : i32
    %dma_wait3A_292 = arith.constant 0 : i32
    %dma_wait3A_293 = tpu.memref_slice %arg3[%dma_wait3A_291, %dma_wait3A_292] : memref<1000001x32xf32, #tpu.memory_space<hbm>> -> memref<1000001x32xf32, #tpu.memory_space<hbm>>
    tpu.wait_indirect_dma semaphore(%arg8 : memref<!tpu.dma_semaphore, #tpu.memory_space<semaphore_mem>>) src(%dma_wait3A_293 : memref<1000001x32xf32, #tpu.memory_space<hbm>>) dst(%dma_wait3A_287 : memref<128x32xf32, #tpu.memory_space<vmem>>)
    %dma_wait3A_294 = arith.constant 189 : i32
    %dma_wait3A_295 = arith.constant 1152 : i32
    %dma_wait3A_296 = arith.constant 0 : i32
    %dma_wait3A_297 = tpu.memref_slice %arg6[%dma_wait3A_295, %dma_wait3A_296] : memref<1280x32xf32, #tpu.memory_space<vmem>> -> memref<128x32xf32, #tpu.memory_space<vmem>>
    %dma_wait3A_298 = arith.constant 0 : i32
    %dma_wait3A_299 = tpu.memref_slice %arg5[%dma_wait3A_294, %dma_wait3A_298] : memref<200x128xi32, #tpu.memory_space<vmem>> -> memref<1x128xi32, #tpu.memory_space<vmem>>
    %dma_wait3A_300 = tpu.memref_squeeze %dma_wait3A_299 : memref<1x128xi32, #tpu.memory_space<vmem>> -> memref<128xi32, #tpu.memory_space<vmem>>
    %dma_wait3A_301 = arith.constant 0 : i32
    %dma_wait3A_302 = arith.constant 0 : i32
    %dma_wait3A_303 = tpu.memref_slice %arg3[%dma_wait3A_301, %dma_wait3A_302] : memref<1000001x32xf32, #tpu.memory_space<hbm>> -> memref<1000001x32xf32, #tpu.memory_space<hbm>>
    tpu.wait_indirect_dma semaphore(%arg8 : memref<!tpu.dma_semaphore, #tpu.memory_space<semaphore_mem>>) src(%dma_wait3A_303 : memref<1000001x32xf32, #tpu.memory_space<hbm>>) dst(%dma_wait3A_297 : memref<128x32xf32, #tpu.memory_space<vmem>>)
    %run_scoped3A = arith.constant 18 : i32
    "tpu.region"() ({
      %run_scoped3A_405 = tpu.sem_alloc : memref<!tpu.dma_semaphore, #tpu.memory_space<semaphore_mem>>
      %dma_start3A_406 = arith.constant 0 : i32
      %dma_start3A_407 = arith.constant 0 : i32
      %dma_start3A_408 = tpu.memref_slice %arg4[%add3A, %run_scoped3A, %dma_start3A_406, %dma_start3A_407] : memref<32x20x1280x32xf32, #tpu.memory_space<hbm>> -> memref<1x1x1280x32xf32, #tpu.memory_space<hbm>>
      %dma_start3A_409 = tpu.memref_squeeze %dma_start3A_408 : memref<1x1x1280x32xf32, #tpu.memory_space<hbm>> -> memref<1280x32xf32, #tpu.memory_space<hbm>>
      %dma_start3A_410 = arith.constant 0 : i32
      %dma_start3A_411 = arith.constant 0 : i32
      %dma_start3A_412 = tpu.memref_slice %arg4[%add3A, %run_scoped3A, %dma_start3A_410, %dma_start3A_411] : memref<32x20x1280x32xf32, #tpu.memory_space<hbm>> -> memref<1x1x1280x32xf32, #tpu.memory_space<hbm>>
      %dma_start3A_413 = tpu.memref_squeeze %dma_start3A_412 : memref<1x1x1280x32xf32, #tpu.memory_space<hbm>> -> memref<1280x32xf32, #tpu.memory_space<hbm>>
      tpu.enqueue_dma source(%arg6 : memref<1280x32xf32, #tpu.memory_space<vmem>>) target(%dma_start3A_413 : memref<1280x32xf32, #tpu.memory_space<hbm>>) target_semaphore(%run_scoped3A_405 : memref<!tpu.dma_semaphore, #tpu.memory_space<semaphore_mem>>)
      %dma_wait3A_414 = arith.constant 0 : i32
      %dma_wait3A_415 = arith.constant 0 : i32
      %dma_wait3A_416 = tpu.memref_slice %arg4[%add3A, %run_scoped3A, %dma_wait3A_414, %dma_wait3A_415] : memref<32x20x1280x32xf32, #tpu.memory_space<hbm>> -> memref<1x1x1280x32xf32, #tpu.memory_space<hbm>>
      %dma_wait3A_417 = tpu.memref_squeeze %dma_wait3A_416 : memref<1x1x1280x32xf32, #tpu.memory_space<hbm>> -> memref<1280x32xf32, #tpu.memory_space<hbm>>
      %dma_wait3A_418 = arith.constant 0 : i32
      %dma_wait3A_419 = arith.constant 0 : i32
      %dma_wait3A_420 = tpu.memref_slice %arg4[%add3A, %run_scoped3A, %dma_wait3A_418, %dma_wait3A_419] : memref<32x20x1280x32xf32, #tpu.memory_space<hbm>> -> memref<1x1x1280x32xf32, #tpu.memory_space<hbm>>
      %dma_wait3A_421 = tpu.memref_squeeze %dma_wait3A_420 : memref<1x1x1280x32xf32, #tpu.memory_space<hbm>> -> memref<1280x32xf32, #tpu.memory_space<hbm>>
      tpu.wait_dma2 semaphore(%run_scoped3A_405 : memref<!tpu.dma_semaphore, #tpu.memory_space<semaphore_mem>>) src(%arg6 : memref<1280x32xf32, #tpu.memory_space<vmem>>) dst(%dma_wait3A_421 : memref<1280x32xf32, #tpu.memory_space<hbm>>)
      tpu.yield
    }) : () -> ()
    %dma_wait3A_304 = arith.constant 190 : i32
    %dma_wait3A_305 = arith.constant 0 : i32
    %dma_wait3A_306 = arith.constant 0 : i32
    %dma_wait3A_307 = tpu.memref_slice %arg7[%dma_wait3A_305, %dma_wait3A_306] : memref<1280x32xf32, #tpu.memory_space<vmem>> -> memref<128x32xf32, #tpu.memory_space<vmem>>
    %dma_wait3A_308 = arith.constant 0 : i32
    %dma_wait3A_309 = tpu.memref_slice %arg5[%dma_wait3A_304, %dma_wait3A_308] : memref<200x128xi32, #tpu.memory_space<vmem>> -> memref<1x128xi32, #tpu.memory_space<vmem>>
    %dma_wait3A_310 = tpu.memref_squeeze %dma_wait3A_309 : memref<1x128xi32, #tpu.memory_space<vmem>> -> memref<128xi32, #tpu.memory_space<vmem>>
    %dma_wait3A_311 = arith.constant 0 : i32
    %dma_wait3A_312 = arith.constant 0 : i32
    %dma_wait3A_313 = tpu.memref_slice %arg3[%dma_wait3A_311, %dma_wait3A_312] : memref<1000001x32xf32, #tpu.memory_space<hbm>> -> memref<1000001x32xf32, #tpu.memory_space<hbm>>
    tpu.wait_indirect_dma semaphore(%arg8 : memref<!tpu.dma_semaphore, #tpu.memory_space<semaphore_mem>>) src(%dma_wait3A_313 : memref<1000001x32xf32, #tpu.memory_space<hbm>>) dst(%dma_wait3A_307 : memref<128x32xf32, #tpu.memory_space<vmem>>)
    %dma_wait3A_314 = arith.constant 191 : i32
    %dma_wait3A_315 = arith.constant 128 : i32
    %dma_wait3A_316 = arith.constant 0 : i32
    %dma_wait3A_317 = tpu.memref_slice %arg7[%dma_wait3A_315, %dma_wait3A_316] : memref<1280x32xf32, #tpu.memory_space<vmem>> -> memref<128x32xf32, #tpu.memory_space<vmem>>
    %dma_wait3A_318 = arith.constant 0 : i32
    %dma_wait3A_319 = tpu.memref_slice %arg5[%dma_wait3A_314, %dma_wait3A_318] : memref<200x128xi32, #tpu.memory_space<vmem>> -> memref<1x128xi32, #tpu.memory_space<vmem>>
    %dma_wait3A_320 = tpu.memref_squeeze %dma_wait3A_319 : memref<1x128xi32, #tpu.memory_space<vmem>> -> memref<128xi32, #tpu.memory_space<vmem>>
    %dma_wait3A_321 = arith.constant 0 : i32
    %dma_wait3A_322 = arith.constant 0 : i32
    %dma_wait3A_323 = tpu.memref_slice %arg3[%dma_wait3A_321, %dma_wait3A_322] : memref<1000001x32xf32, #tpu.memory_space<hbm>> -> memref<1000001x32xf32, #tpu.memory_space<hbm>>
    tpu.wait_indirect_dma semaphore(%arg8 : memref<!tpu.dma_semaphore, #tpu.memory_space<semaphore_mem>>) src(%dma_wait3A_323 : memref<1000001x32xf32, #tpu.memory_space<hbm>>) dst(%dma_wait3A_317 : memref<128x32xf32, #tpu.memory_space<vmem>>)
    %dma_wait3A_324 = arith.constant 192 : i32
    %dma_wait3A_325 = arith.constant 256 : i32
    %dma_wait3A_326 = arith.constant 0 : i32
    %dma_wait3A_327 = tpu.memref_slice %arg7[%dma_wait3A_325, %dma_wait3A_326] : memref<1280x32xf32, #tpu.memory_space<vmem>> -> memref<128x32xf32, #tpu.memory_space<vmem>>
    %dma_wait3A_328 = arith.constant 0 : i32
    %dma_wait3A_329 = tpu.memref_slice %arg5[%dma_wait3A_324, %dma_wait3A_328] : memref<200x128xi32, #tpu.memory_space<vmem>> -> memref<1x128xi32, #tpu.memory_space<vmem>>
    %dma_wait3A_330 = tpu.memref_squeeze %dma_wait3A_329 : memref<1x128xi32, #tpu.memory_space<vmem>> -> memref<128xi32, #tpu.memory_space<vmem>>
    %dma_wait3A_331 = arith.constant 0 : i32
    %dma_wait3A_332 = arith.constant 0 : i32
    %dma_wait3A_333 = tpu.memref_slice %arg3[%dma_wait3A_331, %dma_wait3A_332] : memref<1000001x32xf32, #tpu.memory_space<hbm>> -> memref<1000001x32xf32, #tpu.memory_space<hbm>>
    tpu.wait_indirect_dma semaphore(%arg8 : memref<!tpu.dma_semaphore, #tpu.memory_space<semaphore_mem>>) src(%dma_wait3A_333 : memref<1000001x32xf32, #tpu.memory_space<hbm>>) dst(%dma_wait3A_327 : memref<128x32xf32, #tpu.memory_space<vmem>>)
    %dma_wait3A_334 = arith.constant 193 : i32
    %dma_wait3A_335 = arith.constant 384 : i32
    %dma_wait3A_336 = arith.constant 0 : i32
    %dma_wait3A_337 = tpu.memref_slice %arg7[%dma_wait3A_335, %dma_wait3A_336] : memref<1280x32xf32, #tpu.memory_space<vmem>> -> memref<128x32xf32, #tpu.memory_space<vmem>>
    %dma_wait3A_338 = arith.constant 0 : i32
    %dma_wait3A_339 = tpu.memref_slice %arg5[%dma_wait3A_334, %dma_wait3A_338] : memref<200x128xi32, #tpu.memory_space<vmem>> -> memref<1x128xi32, #tpu.memory_space<vmem>>
    %dma_wait3A_340 = tpu.memref_squeeze %dma_wait3A_339 : memref<1x128xi32, #tpu.memory_space<vmem>> -> memref<128xi32, #tpu.memory_space<vmem>>
    %dma_wait3A_341 = arith.constant 0 : i32
    %dma_wait3A_342 = arith.constant 0 : i32
    %dma_wait3A_343 = tpu.memref_slice %arg3[%dma_wait3A_341, %dma_wait3A_342] : memref<1000001x32xf32, #tpu.memory_space<hbm>> -> memref<1000001x32xf32, #tpu.memory_space<hbm>>
    tpu.wait_indirect_dma semaphore(%arg8 : memref<!tpu.dma_semaphore, #tpu.memory_space<semaphore_mem>>) src(%dma_wait3A_343 : memref<1000001x32xf32, #tpu.memory_space<hbm>>) dst(%dma_wait3A_337 : memref<128x32xf32, #tpu.memory_space<vmem>>)
    %dma_wait3A_344 = arith.constant 194 : i32
    %dma_wait3A_345 = arith.constant 512 : i32
    %dma_wait3A_346 = arith.constant 0 : i32
    %dma_wait3A_347 = tpu.memref_slice %arg7[%dma_wait3A_345, %dma_wait3A_346] : memref<1280x32xf32, #tpu.memory_space<vmem>> -> memref<128x32xf32, #tpu.memory_space<vmem>>
    %dma_wait3A_348 = arith.constant 0 : i32
    %dma_wait3A_349 = tpu.memref_slice %arg5[%dma_wait3A_344, %dma_wait3A_348] : memref<200x128xi32, #tpu.memory_space<vmem>> -> memref<1x128xi32, #tpu.memory_space<vmem>>
    %dma_wait3A_350 = tpu.memref_squeeze %dma_wait3A_349 : memref<1x128xi32, #tpu.memory_space<vmem>> -> memref<128xi32, #tpu.memory_space<vmem>>
    %dma_wait3A_351 = arith.constant 0 : i32
    %dma_wait3A_352 = arith.constant 0 : i32
    %dma_wait3A_353 = tpu.memref_slice %arg3[%dma_wait3A_351, %dma_wait3A_352] : memref<1000001x32xf32, #tpu.memory_space<hbm>> -> memref<1000001x32xf32, #tpu.memory_space<hbm>>
    tpu.wait_indirect_dma semaphore(%arg8 : memref<!tpu.dma_semaphore, #tpu.memory_space<semaphore_mem>>) src(%dma_wait3A_353 : memref<1000001x32xf32, #tpu.memory_space<hbm>>) dst(%dma_wait3A_347 : memref<128x32xf32, #tpu.memory_space<vmem>>)
    %dma_wait3A_354 = arith.constant 195 : i32
    %dma_wait3A_355 = arith.constant 640 : i32
    %dma_wait3A_356 = arith.constant 0 : i32
    %dma_wait3A_357 = tpu.memref_slice %arg7[%dma_wait3A_355, %dma_wait3A_356] : memref<1280x32xf32, #tpu.memory_space<vmem>> -> memref<128x32xf32, #tpu.memory_space<vmem>>
    %dma_wait3A_358 = arith.constant 0 : i32
    %dma_wait3A_359 = tpu.memref_slice %arg5[%dma_wait3A_354, %dma_wait3A_358] : memref<200x128xi32, #tpu.memory_space<vmem>> -> memref<1x128xi32, #tpu.memory_space<vmem>>
    %dma_wait3A_360 = tpu.memref_squeeze %dma_wait3A_359 : memref<1x128xi32, #tpu.memory_space<vmem>> -> memref<128xi32, #tpu.memory_space<vmem>>
    %dma_wait3A_361 = arith.constant 0 : i32
    %dma_wait3A_362 = arith.constant 0 : i32
    %dma_wait3A_363 = tpu.memref_slice %arg3[%dma_wait3A_361, %dma_wait3A_362] : memref<1000001x32xf32, #tpu.memory_space<hbm>> -> memref<1000001x32xf32, #tpu.memory_space<hbm>>
    tpu.wait_indirect_dma semaphore(%arg8 : memref<!tpu.dma_semaphore, #tpu.memory_space<semaphore_mem>>) src(%dma_wait3A_363 : memref<1000001x32xf32, #tpu.memory_space<hbm>>) dst(%dma_wait3A_357 : memref<128x32xf32, #tpu.memory_space<vmem>>)
    %dma_wait3A_364 = arith.constant 196 : i32
    %dma_wait3A_365 = arith.constant 768 : i32
    %dma_wait3A_366 = arith.constant 0 : i32
    %dma_wait3A_367 = tpu.memref_slice %arg7[%dma_wait3A_365, %dma_wait3A_366] : memref<1280x32xf32, #tpu.memory_space<vmem>> -> memref<128x32xf32, #tpu.memory_space<vmem>>
    %dma_wait3A_368 = arith.constant 0 : i32
    %dma_wait3A_369 = tpu.memref_slice %arg5[%dma_wait3A_364, %dma_wait3A_368] : memref<200x128xi32, #tpu.memory_space<vmem>> -> memref<1x128xi32, #tpu.memory_space<vmem>>
    %dma_wait3A_370 = tpu.memref_squeeze %dma_wait3A_369 : memref<1x128xi32, #tpu.memory_space<vmem>> -> memref<128xi32, #tpu.memory_space<vmem>>
    %dma_wait3A_371 = arith.constant 0 : i32
    %dma_wait3A_372 = arith.constant 0 : i32
    %dma_wait3A_373 = tpu.memref_slice %arg3[%dma_wait3A_371, %dma_wait3A_372] : memref<1000001x32xf32, #tpu.memory_space<hbm>> -> memref<1000001x32xf32, #tpu.memory_space<hbm>>
    tpu.wait_indirect_dma semaphore(%arg8 : memref<!tpu.dma_semaphore, #tpu.memory_space<semaphore_mem>>) src(%dma_wait3A_373 : memref<1000001x32xf32, #tpu.memory_space<hbm>>) dst(%dma_wait3A_367 : memref<128x32xf32, #tpu.memory_space<vmem>>)
    %dma_wait3A_374 = arith.constant 197 : i32
    %dma_wait3A_375 = arith.constant 896 : i32
    %dma_wait3A_376 = arith.constant 0 : i32
    %dma_wait3A_377 = tpu.memref_slice %arg7[%dma_wait3A_375, %dma_wait3A_376] : memref<1280x32xf32, #tpu.memory_space<vmem>> -> memref<128x32xf32, #tpu.memory_space<vmem>>
    %dma_wait3A_378 = arith.constant 0 : i32
    %dma_wait3A_379 = tpu.memref_slice %arg5[%dma_wait3A_374, %dma_wait3A_378] : memref<200x128xi32, #tpu.memory_space<vmem>> -> memref<1x128xi32, #tpu.memory_space<vmem>>
    %dma_wait3A_380 = tpu.memref_squeeze %dma_wait3A_379 : memref<1x128xi32, #tpu.memory_space<vmem>> -> memref<128xi32, #tpu.memory_space<vmem>>
    %dma_wait3A_381 = arith.constant 0 : i32
    %dma_wait3A_382 = arith.constant 0 : i32
    %dma_wait3A_383 = tpu.memref_slice %arg3[%dma_wait3A_381, %dma_wait3A_382] : memref<1000001x32xf32, #tpu.memory_space<hbm>> -> memref<1000001x32xf32, #tpu.memory_space<hbm>>
    tpu.wait_indirect_dma semaphore(%arg8 : memref<!tpu.dma_semaphore, #tpu.memory_space<semaphore_mem>>) src(%dma_wait3A_383 : memref<1000001x32xf32, #tpu.memory_space<hbm>>) dst(%dma_wait3A_377 : memref<128x32xf32, #tpu.memory_space<vmem>>)
    %dma_wait3A_384 = arith.constant 198 : i32
    %dma_wait3A_385 = arith.constant 1024 : i32
    %dma_wait3A_386 = arith.constant 0 : i32
    %dma_wait3A_387 = tpu.memref_slice %arg7[%dma_wait3A_385, %dma_wait3A_386] : memref<1280x32xf32, #tpu.memory_space<vmem>> -> memref<128x32xf32, #tpu.memory_space<vmem>>
    %dma_wait3A_388 = arith.constant 0 : i32
    %dma_wait3A_389 = tpu.memref_slice %arg5[%dma_wait3A_384, %dma_wait3A_388] : memref<200x128xi32, #tpu.memory_space<vmem>> -> memref<1x128xi32, #tpu.memory_space<vmem>>
    %dma_wait3A_390 = tpu.memref_squeeze %dma_wait3A_389 : memref<1x128xi32, #tpu.memory_space<vmem>> -> memref<128xi32, #tpu.memory_space<vmem>>
    %dma_wait3A_391 = arith.constant 0 : i32
    %dma_wait3A_392 = arith.constant 0 : i32
    %dma_wait3A_393 = tpu.memref_slice %arg3[%dma_wait3A_391, %dma_wait3A_392] : memref<1000001x32xf32, #tpu.memory_space<hbm>> -> memref<1000001x32xf32, #tpu.memory_space<hbm>>
    tpu.wait_indirect_dma semaphore(%arg8 : memref<!tpu.dma_semaphore, #tpu.memory_space<semaphore_mem>>) src(%dma_wait3A_393 : memref<1000001x32xf32, #tpu.memory_space<hbm>>) dst(%dma_wait3A_387 : memref<128x32xf32, #tpu.memory_space<vmem>>)
    %dma_wait3A_394 = arith.constant 199 : i32
    %dma_wait3A_395 = arith.constant 1152 : i32
    %dma_wait3A_396 = arith.constant 0 : i32
    %dma_wait3A_397 = tpu.memref_slice %arg7[%dma_wait3A_395, %dma_wait3A_396] : memref<1280x32xf32, #tpu.memory_space<vmem>> -> memref<128x32xf32, #tpu.memory_space<vmem>>
    %dma_wait3A_398 = arith.constant 0 : i32
    %dma_wait3A_399 = tpu.memref_slice %arg5[%dma_wait3A_394, %dma_wait3A_398] : memref<200x128xi32, #tpu.memory_space<vmem>> -> memref<1x128xi32, #tpu.memory_space<vmem>>
    %dma_wait3A_400 = tpu.memref_squeeze %dma_wait3A_399 : memref<1x128xi32, #tpu.memory_space<vmem>> -> memref<128xi32, #tpu.memory_space<vmem>>
    %dma_wait3A_401 = arith.constant 0 : i32
    %dma_wait3A_402 = arith.constant 0 : i32
    %dma_wait3A_403 = tpu.memref_slice %arg3[%dma_wait3A_401, %dma_wait3A_402] : memref<1000001x32xf32, #tpu.memory_space<hbm>> -> memref<1000001x32xf32, #tpu.memory_space<hbm>>
    tpu.wait_indirect_dma semaphore(%arg8 : memref<!tpu.dma_semaphore, #tpu.memory_space<semaphore_mem>>) src(%dma_wait3A_403 : memref<1000001x32xf32, #tpu.memory_space<hbm>>) dst(%dma_wait3A_397 : memref<128x32xf32, #tpu.memory_space<vmem>>)
    %run_scoped3A_404 = arith.constant 19 : i32
    "tpu.region"() ({
      %run_scoped3A_405 = tpu.sem_alloc : memref<!tpu.dma_semaphore, #tpu.memory_space<semaphore_mem>>
      %dma_start3A_406 = arith.constant 0 : i32
      %dma_start3A_407 = arith.constant 0 : i32
      %dma_start3A_408 = tpu.memref_slice %arg4[%add3A, %run_scoped3A_404, %dma_start3A_406, %dma_start3A_407] : memref<32x20x1280x32xf32, #tpu.memory_space<hbm>> -> memref<1x1x1280x32xf32, #tpu.memory_space<hbm>>
      %dma_start3A_409 = tpu.memref_squeeze %dma_start3A_408 : memref<1x1x1280x32xf32, #tpu.memory_space<hbm>> -> memref<1280x32xf32, #tpu.memory_space<hbm>>
      %dma_start3A_410 = arith.constant 0 : i32
      %dma_start3A_411 = arith.constant 0 : i32
      %dma_start3A_412 = tpu.memref_slice %arg4[%add3A, %run_scoped3A_404, %dma_start3A_410, %dma_start3A_411] : memref<32x20x1280x32xf32, #tpu.memory_space<hbm>> -> memref<1x1x1280x32xf32, #tpu.memory_space<hbm>>
      %dma_start3A_413 = tpu.memref_squeeze %dma_start3A_412 : memref<1x1x1280x32xf32, #tpu.memory_space<hbm>> -> memref<1280x32xf32, #tpu.memory_space<hbm>>
      tpu.enqueue_dma source(%arg7 : memref<1280x32xf32, #tpu.memory_space<vmem>>) target(%dma_start3A_413 : memref<1280x32xf32, #tpu.memory_space<hbm>>) target_semaphore(%run_scoped3A_405 : memref<!tpu.dma_semaphore, #tpu.memory_space<semaphore_mem>>)
      %dma_wait3A_414 = arith.constant 0 : i32
      %dma_wait3A_415 = arith.constant 0 : i32
      %dma_wait3A_416 = tpu.memref_slice %arg4[%add3A, %run_scoped3A_404, %dma_wait3A_414, %dma_wait3A_415] : memref<32x20x1280x32xf32, #tpu.memory_space<hbm>> -> memref<1x1x1280x32xf32, #tpu.memory_space<hbm>>
      %dma_wait3A_417 = tpu.memref_squeeze %dma_wait3A_416 : memref<1x1x1280x32xf32, #tpu.memory_space<hbm>> -> memref<1280x32xf32, #tpu.memory_space<hbm>>
      %dma_wait3A_418 = arith.constant 0 : i32
      %dma_wait3A_419 = arith.constant 0 : i32
      %dma_wait3A_420 = tpu.memref_slice %arg4[%add3A, %run_scoped3A_404, %dma_wait3A_418, %dma_wait3A_419] : memref<32x20x1280x32xf32, #tpu.memory_space<hbm>> -> memref<1x1x1280x32xf32, #tpu.memory_space<hbm>>
      %dma_wait3A_421 = tpu.memref_squeeze %dma_wait3A_420 : memref<1x1x1280x32xf32, #tpu.memory_space<hbm>> -> memref<1280x32xf32, #tpu.memory_space<hbm>>
      tpu.wait_dma2 semaphore(%run_scoped3A_405 : memref<!tpu.dma_semaphore, #tpu.memory_space<semaphore_mem>>) src(%arg7 : memref<1280x32xf32, #tpu.memory_space<vmem>>) dst(%dma_wait3A_421 : memref<1280x32xf32, #tpu.memory_space<hbm>>)
      tpu.yield
    }) : () -> ()
    return
  }
}

</mosaic_0001>

<sc_bundles>
// kernel: kernel.3.cloned.1.call-start
scs
__scs_entry_jumppad:
0x0: {  	(pc) =	sbr.rel $0x88, $3  }
0x1: {  	(tag) =	ssettag $0x0;
	lr =	simm.s32 $0x1  }
0x2: {  	[smem:$0x3F9F] =	sst lr;
	_ =	strace $0xD0000000  }
0x3: {  	_ = 	snop  }
0x4: {  	_ = 	snop  }
0x5: {  	_ = 	snop  }
0x6: {  	_ = 	snop  }
0x7: {  	_ = 	snop  }
__scs_overlays_trampoline_lowered:
0x8: {  	[smem:$0x3FAE] =	sst s0  }
0x9: {  	[smem:$0x3FAF] =	sst s1  }
0xa: {  	[smem:$0x3FB0] =	sst s2  }
0xb: {  	[smem:$0x3FB1] =	sst s3  }
0xc: {  	[smem:$0x3FB2] =	sst s4  }
0xd: {  	[smem:$0x3FB3] =	sst s5  }
0xe: {  	[smem:$0x3FB4] =	sst s6  }
0xf: {  	[smem:$0x3FB5] =	sst s7  }
0x10: {  	[smem:$0x3FB6] =	sst s8  }
0x11: {  	[smem:$0x3FB7] =	sst s9;
	s0 =	simm.s32 @!p0 $0x0  }
0x12: {  	s1 =	sld [smem:$0x3F9D];
	s0 =	simm.s32 @p0 $0x1  }
0x13: {  	[smem:$0x3FB8] =	sst s0;
	s0 =	simm.s32 @!p1 $0x0  }
0x14: {  	s2 =	sld [smem:$0x3F9C];
	s0 =	simm.s32 @p1 $0x1  }
0x15: {  	[smem:$0x3FB9] =	sst s0;
	s0 =	simm.s32 @!p2 $0x0  }
0x16: {  	s3 =	sld [smem:$0x3FDB];
	s0 =	simm.s32 @p2 $0x1  }
0x17: {  	s4 =	simm.s32 $0x1BF5;
	[smem:$0x3FBB] =	sst s0  }
0x18: {  	s0 =	sld [smem:$0x3F9E];
	_ =	swait.ge [sflag:s4], $0x0  }
0x19: {  	s7 =	sld [smem:$0x3F9F]  }
0x1a: {  	s8 =	sadd.s32 $0xFFFFE003, lr  }
0x1b: {  	s9 =	sadd.s32 $0xFFFFFEF7, lr;
	s5 =	simm.s32 $0xFFFFFFFF;
	p2 =	slt.u32 s8, $0xFFFFF086  }
0x1c: {  	p1 =	slt.u32 s9, $0xF7A;
	s5 =	simm.s32 @!p2 $0x0  }
0x1d: {  	s5 =	simm.s32 @p1 $0x1;
	p0 =	seq.s32 s7, s2  }
0x1e: {  	s7 =	smul.u32 @!p0 $0xF7A, s2;
	p2 =	seq.s32 @!p0 s5, $0x0  }
0x1f: {  	s9 =	smul.u32 $0xF7A, s1;
	s8 =	simm.s32 @!p0 $0x1BF5;
	p2 =	por !p2, p0  }
0x20: {  	[sflag:s8] =	ssyncset.s32 @!p0 $0xFFFFF086;
	s6 =	sadd.s32 @!p0 s3, s7;
	s7 =	simm.s32 @!p0 $0x108  }
0x21: {  	s3 =	sadd.s32 s3, s9;
	s6 =	sadd.s32 @!p0 $0x88, s6;
	s7 =	simm.s32 @p2 $0x1082  }
0x22: {  	[simem:s7], [sflag:s8] =	dma.local @!p0 [hbm:s6], $0xF7A  }
0x23: {  	s9 =	sor.u32 $0xD0000000, s2;
	s6 =	simm.s32 $0x108;
	_ =	swait.ge @!p0 [sflag:s8], $0x0  }
0x24: {  	s3 =	sadd.s32 $0x88, s3;
	s6 =	simm.s32 @!p1 $0x1082;
	[sflag:s4] =	ssyncset.s32 $0xFFFFF086  }
0x25: {  	[simem:s6], [sflag:s4] =	dma.local [hbm:s3], $0xF7A  }
0x26: {  	[smem:$0x3F9F] =	sst s1;
	(tag) =	ssettag s2;
	_ =	strace s9  }
0x27: {  	s1 =	sld [smem:$0x3FAF]  }
0x28: {  	s2 =	sld [smem:$0x3FB0]  }
0x29: {  	s4 =	sld [smem:$0x3FB2]  }
0x2a: {  	p0 =	seq.s32 s5, $0x0;
	s5 =	sld [smem:$0x3FB3]  }
0x2b: {  	s6 =	sld [smem:$0x3FB4]  }
0x2c: {  	s7 =	sld [smem:$0x3FB5]  }
0x2d: {  	s3 =	simm.s32 $0x108;
	s8 =	sld [smem:$0x3FB6]  }
0x2e: {  	s3 =	simm.s32 @!p0 $0x1082;
	s9 =	sld [smem:$0x3FB7]  }
0x2f: {  	lr =	sadd.s32 s0, s3;
	s0 =	sld [smem:$0x3FAE]  }
0x30: {  	s3 =	sld [smem:$0x3FB1]  }
0x31: {  	[smem:$0x3FBA] =	sst s10  }
0x32: {  	s10 =	sld [smem:$0x3FB8];
	_ =	sdelay $0x3  }
0x33: {  	p0 =	seq.s32 s10, $0x1;
	s10 =	sld [smem:$0x3FBA];
	_ =	sdelay $0x3  }
0x34: {  	[smem:$0x3FBA] =	sst s10  }
0x35: {  	s10 =	sld [smem:$0x3FB9];
	_ =	sdelay $0x3  }
0x36: {  	p1 =	seq.s32 s10, $0x1;
	s10 =	sld [smem:$0x3FBA];
	_ =	sdelay $0x3  }
0x37: {  	[smem:$0x3FBA] =	sst s10  }
0x38: {  	s10 =	sld [smem:$0x3FBB]  }
0x39: {  	_ = 	snop;
	(pc) =	sbr.ind lr, $3  }
0x3a: {  	_ = 	snop  }
0x3b: {  	_ = 	snop  }
0x3c: {  	p2 =	seq.s32 s10, $0x1;
	s10 =	sld [smem:$0x3FBA]  }
0x3d: {  	_ =	shalt  }
0x3e: {  	_ =	shalt  }
0x3f: {  	_ =	shalt  }
0x40: {  	_ =	shalt  }
0x41: {  	_ =	shalt  }
0x42: {  	_ =	shalt  }
0x43: {  	_ =	shalt  }
0x44: {  	_ =	shalt  }
0x45: {  	_ =	shalt  }
0x46: {  	_ =	shalt  }
0x47: {  	_ =	shalt  }
0x48: {  	_ =	shalt  }
0x49: {  	_ =	shalt  }
0x4a: {  	_ =	shalt  }
0x4b: {  	_ =	shalt  }
0x4c: {  	_ =	shalt  }
0x4d: {  	_ =	shalt  }
0x4e: {  	_ =	shalt  }
0x4f: {  	_ =	shalt  }
0x50: {  	_ =	shalt  }
0x51: {  	_ =	shalt  }
0x52: {  	_ =	shalt  }
0x53: {  	_ =	shalt  }
0x54: {  	_ =	shalt  }
0x55: {  	_ =	shalt  }
0x56: {  	_ =	shalt  }
0x57: {  	_ =	shalt  }
0x58: {  	_ =	shalt  }
0x59: {  	_ =	shalt  }
0x5a: {  	_ =	shalt  }
0x5b: {  	_ =	shalt  }
0x5c: {  	_ =	shalt  }
0x5d: {  	_ =	shalt  }
0x5e: {  	_ =	shalt  }
0x5f: {  	_ =	shalt  }
0x60: {  	_ =	shalt  }
0x61: {  	_ =	shalt  }
0x62: {  	_ =	shalt  }
0x63: {  	_ =	shalt  }
0x64: {  	_ =	shalt  }
0x65: {  	_ =	shalt  }
0x66: {  	_ =	shalt  }
0x67: {  	_ =	shalt  }
0x68: {  	_ =	shalt  }
0x69: {  	_ =	shalt  }
0x6a: {  	_ =	shalt  }
0x6b: {  	_ =	shalt  }
0x6c: {  	_ =	shalt  }
0x6d: {  	_ =	shalt  }
0x6e: {  	_ =	shalt  }
0x6f: {  	_ =	shalt  }
0x70: {  	_ =	shalt  }
0x71: {  	_ =	shalt  }
0x72: {  	_ =	shalt  }
0x73: {  	_ =	shalt  }
0x74: {  	_ =	shalt  }
0x75: {  	_ =	shalt  }
0x76: {  	_ =	shalt  }
0x77: {  	_ =	shalt  }
0x78: {  	_ =	shalt  }
0x79: {  	_ =	shalt  }
0x7a: {  	_ =	shalt  }
0x7b: {  	_ =	shalt  }
0x7c: {  	_ =	shalt  }
0x7d: {  	_ =	shalt  }
0x7e: {  	_ =	shalt  }
0x7f: {  	_ =	shalt  }
0x80: {  	_ =	shalt  }
0x81: {  	_ =	shalt  }
0x82: {  	_ =	shalt  }
0x83: {  	_ =	shalt  }
0x84: {  	_ =	shalt  }
0x85: {  	_ =	shalt  }
0x86: {  	_ =	shalt  }
0x87: {  	_ =	shalt  }
.Lfunc_end0:
.L_simem_size_0:
called_computation.1_lowered:
.L_overlay_start_0:
0x88: {  	s2 =	sld [smem:$0x3FD9]  }
0x89: {  	s3 =	sld [smem:$0x3FFE];
	_ =	sdelay $0x1  }
0x8a: {  	s1 =	srdreg.scid  }
0x8b: {  	s0 =	sand.u32 $0x1, s1  }
0x8c: {  	s17 =	sshll.u32 s0, $0xA;
	s2 =	sadd.s32 s3, s2  }
0x8d: {  	s2 =	sadd.s32 s2, s17  }
0x8e: {  	[smem:$0x3FC6] =	sst s2  }
0x8f: {  	_ = 	snop  }
0x90: {  	s2 =	sld [smem:$0x3FD0];
	(tm) =	ssettm $0x1  }
0x91: {  	s18 =	sld [smem:$0x3FFB];
	_ =	sdelay $0x3  }
0x92: {  	_ =	strace s18  }
0x93: {  	s3 =	sld [smem:$0x3FFC];
	_ =	sdelay $0x3  }
0x94: {  	_ =	strace s3  }
0x95: {  	s3 =	sld [smem:$0x3FFD];
	_ =	sdelay $0x3  }
0x96: {  	_ =	strace s3  }
0x97: {  	_ =	strace $0x8FFFFFFF  }
0x98: {  	s19 =	sld [smem:$0x3FDB];
	_ =	sdelay $0x1  }
0x99: {  	s4 =	simm.s32 $_scs_section_size  }
0x9a: {  	s5 =	simm.s32 $_size__tile_overlayer_lowered;
	s6 =	simm.s32 $_tile_overlayer_lowered  }
0x9b: {  	s22 =	simm.s32 $0x1BFF;
	s21 =	sshll.u32 s6, $0x1;
	s3 =	sadd.s32 s4, s19  }
0x9c: {  	s7 =	simm.s32 $0x0;
	s20 =	sshll.u32 s5, $0x1;
	s5 =	sadd.s32 s21, s3  }
0x9d: {  	[timem:s7], [sflag:s22] =	dma.local [hbm:s5], s20  }
0x9e: {  	_ =	swait.ge [sflag:s22], s20  }
0x9f: {  	s4 =	ssub.s32 $0x0, s20;
	[sflag:s22] =	ssyncset.done $0x0  }
0xa0: {  	[sflag:s22] =	ssyncadd.s32 s4;
	_ =	sdelay $0x1  }
0xa1: {  	s23 =	simm.s32 $0x1B8B  }
0xa2: {  	_ =	swait.ge [sflag:s23], $0x1  }
0xa3: {  	[sflag:s23] =	ssyncset.done $0x0  }
0xa4: {  	s25 =	simm.s32 $0x1B8E;
	s24 =	sld [smem:$0x3FFE];
	[sflag:s23] =	ssyncadd.s32 $0xFFFFFFFF  }
0xa5: {  	s26 =	simm.s32 $execute0_lowered;
	[smem:$0x3FD2] =	sst s25  }
0xa6: {  	s5 =	sshll.u32 s26, $0x1;
	_ =	strace $0x80000046;
	[dreg:$0x1] =	wrdreg $0xFFFFFFFF  }
0xa7: {  	s28 =	simm.s32 $_size_execute0_lowered;
	s3 =	sadd.s32 s3, s5;
	[dreg:$0x0] =	wrdreg $0x0  }
0xa8: {  	s5 =	sshll.u32 s28, $0x1;
	[dreg:$0x2] =	wrdreg s3  }
0xa9: {  	[dreg:$0x3] =	wrdreg s5  }
0xaa: {  	[dreg:$0x4] =	wrdreg $0xC0  }
0xab: {  	_ =	task [dreg:s7], $0x5FFFF  }
0xac: {  	[dreg:$0x1] =	wrdreg $0xFFFFFFFF  }
0xad: {  	[dreg:$0x0] =	wrdreg $0x60  }
0xae: {  	[dreg:$0x2] =	wrdreg s24  }
0xaf: {  	[dreg:$0x3] =	wrdreg s2  }
0xb0: {  	[dreg:$0x4] =	wrdreg $0x9  }
0xb1: {  	_ =	task.clear_ibuf [dreg:s7], $0x5FFFF;
	_ =	strace $0x90000046  }
0xb2: {  	s29 =	simm.s32 $0x9;
	_ =	strace $0x80000048  }
0xb3: {  	_ =	swait.ge [sflag:s29], $0x1  }
0xb4: {  	[sflag:s29] =	ssyncadd.s32 $0xFFFFFFFF  }
0xb5: {  	_ =	strace $0x90000048  }
0xb6: {  	_ =	sfence  }
0xb7: {  	s30 =	sld [smem:$0x0];
	_ =	sdelay $0x2  }
0xb8: {  	s31 =	sshll.u32 s1, $0xD;
	s1 =	sshrl.u32 s1, $0x2  }
0xb9: {  	s3 =	sand.u32 $0x4000, s31;
	s1 =	sadd.s32 s1, s30  }
0xba: {  	s0 =	sor.u32 s3, s0;
	s1 =	sshll.u32 s1, $0x11  }
0xbb: {  	s0 =	sor.u32 s1, s0  }
0xbc: {  	s0 =	sadd.s32 $0x8F2B, s0  }
0xbd: {  	[sflag:s0] =	ssyncadd.remote.s32 $0x1  }
0xbe: {  	_ =	sfence.sel $0xFFFF  }
0xbf: {  	[dreg:$0x0] =	wrdreg $0xFFFFFFFF;
	(pc) =	sbr.abs _section_cstart, $3  }
0xc0: {  	[dreg:$0x1] =	wrdreg $0xFFFFFFFF  }
0xc1: {  	_ =	task.clear_ibuf [dreg:s7], $0x2FFFF;
	_ =	strace $0x9FFFFFFF  }
0xc2: {  	(tm) =	ssettm $0x7FFFFFFF  }
0xc3: {  	_ =	shalt  }
tec
execute0_lowered:
.L_overlay_start_1:
0x0: {  	(tag) =	ssettag $0x1  }
0x1: {  	s0 =	srdreg.scid  }
0x2: {  	s6 =	stileid.u32;
	s3 =	rddreg [dreg:$0x0]  }
0x3: {  	s4 =	rddreg [dreg:$0x1];
	s2 =	simm.s32 $0x0;
	s9 =	simm.s32 $0x80  }
0x4: {  	s10 =	simm.s32 $0x6400;
	s11 =	simm.s32 $0x7400;
	s13 =	simm.s32 $0x8400  }
0x5: {  	s15 =	simm.s32 $0x9400;
	s17 =	simm.s32 $0xA400;
	s19 =	simm.s32 $0xB400  }
0x6: {  	s21 =	simm.s32 $0xC400;
	s23 =	simm.s32 $0xD400;
	s28 =	simm.s32 $0xF400  }
0x7: {  	s30 =	simm.s32 $0x10400;
	s12 =	simm.s32 $0x12400;
	s16 =	simm.s32 $0x13400  }
0x8: {  	s20 =	simm.s32 $0x14400;
	s24 =	simm.s32 $0x15400;
	s29 =	simm.s32 $0x16400  }
0x9: {  	s18 =	simm.s32 $0x18400;
	s31 =	simm.s32 $0x1;
	s14 =	simm.s32 $0x0  }
0xa: {  	s0 =	sand.u32 $0x1, s0;
	s1 =	sshll.u32 s6, $0x1;
	s6 =	smul.u32 $0x190000, s6  }
0xb: {  	[smem:$0x7FF] =	sst s2;
	s1 =	sor.u32 s0, s1;
	s7 =	smul.u32 $0xC8000, s0  }
0xc: {  	_ =	strace $0x80000047;
	s0 =	ssub.s32 $0x2, s0;
	s5 =	smul.u32 $0xC80, s1  }
0xd: {  	s8 =	sshrl.u32 s0, $0x1;
	s1 =	smul.u32 $0xC8000, s1;
	s6 =	sadd.s32 s7, s6  }
0xe: {  	s0 =	ssub.s32 s0, s8;
	s8 =	simm.s32 $0x2;
	s5 =	sadd.s32 s5, s3  }
0xf: {  	s3 =	sadd.s32 $0xF43000, s3;
	s7 =	sadd.s32 $0xA000, s6;
	s1 =	sshrl.u32 s1, $0x3  }
0x10: {  	s6 =	sshrl.u32 s6, $0x3;
	s5 =	sadd.s32 $0xA00, s5;
	s1 =	sadd.s32 s4, s1  }
0x11: {  	s25 =	sshrl.u32 s7, $0x3;
	[dreg:$0x5] =	wrdreg s5;
	s26 =	sadd.s32 $0x16800, s1  }
0x12: {  	s7 =	smax.u32 s0, $0x1;
	s5 =	sadd.s32 s25, s4;
	[dreg:$0x6] =	wrdreg s26  }
0x13: {  	s0 =	simm.s32 $0x17400;
	s1 =	sadd.s32 $0x17C00, s1;
	[dreg:$0x3] =	wrdreg s5  }
0x14: {  	s4 =	sadd.s32 s6, s4;
	s25 =	simm.s32 $0xE400;
	[dreg:$0x7] =	wrdreg s1  }
0x15: {  	[dreg:$0x4] =	wrdreg s4;
	s1 =	simm.s32 $0x11400;
	s26 =	simm.s32 $0x19400  }
.LBB2_1:
0x16: {  	s4 =	rddreg [dreg:$0x5]  }
0x17: {  	[tilespmem:s2], [sflag:$0x2] =	stream.linear.gather [hbm4b:s4+s2], $0x6400, $0x38;
	[tilespmem:$0x1A400] =	vst v63  }
0x18: {  	_ =	swait.ge [sflag:s8], $0x6400  }
0x19: {  	[sflag:s8] =	ssyncset.done $0x0  }
0x1a: {  	[sflag:s8] =	ssyncadd.s32 $0xFFFF9C00  }
0x1b: {  	[tilespmem:s10], [sflag:$0x1] =	stream.indirect.gather [hbm4b:s3+s9], $0x20, s2, s9, $0xb8;
	[tilespmem:$0x1A400] =	vst v63  }
0x1c: {  	_ = 	snop  }
0x1d: {  	[tilespmem:s11], [sflag:$0x1] =	stream.indirect.gather [hbm4b:s3+s9], $0x20, s9, s9, $0xb8;
	[tilespmem:$0x1A400] =	vst v63  }
0x1e: {  	s5 =	simm.s32 $0x100  }
0x1f: {  	[tilespmem:s13], [sflag:$0x1] =	stream.indirect.gather [hbm4b:s3+s9], $0x20, s5, s9, $0xb8;
	[tilespmem:$0x1A400] =	vst v63  }
0x20: {  	s6 =	simm.s32 $0x180  }
0x21: {  	[tilespmem:s15], [sflag:$0x1] =	stream.indirect.gather [hbm4b:s3+s9], $0x20, s6, s9, $0xb8;
	[tilespmem:$0x1A400] =	vst v63  }
0x22: {  	s22 =	simm.s32 $0x200  }
0x23: {  	[tilespmem:s17], [sflag:$0x1] =	stream.indirect.gather [hbm4b:s3+s9], $0x20, s22, s9, $0xb8;
	[tilespmem:$0x1A400] =	vst v63  }
0x24: {  	s5 =	simm.s32 $0x280  }
0x25: {  	[tilespmem:s19], [sflag:$0x1] =	stream.indirect.gather [hbm4b:s3+s9], $0x20, s5, s9, $0xb8;
	[tilespmem:$0x1A400] =	vst v63  }
0x26: {  	s6 =	simm.s32 $0x300  }
0x27: {  	[tilespmem:s21], [sflag:$0x1] =	stream.indirect.gather [hbm4b:s3+s9], $0x20, s6, s9, $0xb8;
	[tilespmem:$0x1A400] =	vst v63  }
0x28: {  	s22 =	simm.s32 $0x380  }
0x29: {  	[tilespmem:s23], [sflag:$0x1] =	stream.indirect.gather [hbm4b:s3+s9], $0x20, s22, s9, $0xb8;
	[tilespmem:$0x1A400] =	vst v63  }
0x2a: {  	s5 =	simm.s32 $0x400  }
0x2b: {  	[tilespmem:s25], [sflag:$0x1] =	stream.indirect.gather [hbm4b:s3+s9], $0x20, s5, s9, $0xb8;
	[tilespmem:$0x1A400] =	vst v63  }
0x2c: {  	s6 =	simm.s32 $0x480  }
0x2d: {  	[tilespmem:s28], [sflag:$0x1] =	stream.indirect.gather [hbm4b:s3+s9], $0x20, s6, s9, $0xb8;
	[tilespmem:$0x1A400] =	vst v63  }
0x2e: {  	s22 =	simm.s32 $0x500  }
0x2f: {  	[tilespmem:s30], [sflag:$0x1] =	stream.indirect.gather [hbm4b:s3+s9], $0x20, s22, s9, $0xb8;
	[tilespmem:$0x1A400] =	vst v63  }
0x30: {  	s5 =	simm.s32 $0x580  }
0x31: {  	[tilespmem:s1], [sflag:$0x1] =	stream.indirect.gather [hbm4b:s3+s9], $0x20, s5, s9, $0xb8;
	[tilespmem:$0x1A400] =	vst v63  }
0x32: {  	s6 =	simm.s32 $0x600  }
0x33: {  	[tilespmem:s12], [sflag:$0x1] =	stream.indirect.gather [hbm4b:s3+s9], $0x20, s6, s9, $0xb8;
	[tilespmem:$0x1A400] =	vst v63  }
0x34: {  	s22 =	simm.s32 $0x680  }
0x35: {  	[tilespmem:s16], [sflag:$0x1] =	stream.indirect.gather [hbm4b:s3+s9], $0x20, s22, s9, $0xb8;
	[tilespmem:$0x1A400] =	vst v63  }
0x36: {  	s5 =	simm.s32 $0x700  }
0x37: {  	[tilespmem:s20], [sflag:$0x1] =	stream.indirect.gather [hbm4b:s3+s9], $0x20, s5, s9, $0xb8;
	[tilespmem:$0x1A400] =	vst v63  }
0x38: {  	s6 =	simm.s32 $0x780  }
0x39: {  	[tilespmem:s24], [sflag:$0x1] =	stream.indirect.gather [hbm4b:s3+s9], $0x20, s6, s9, $0xb8;
	[tilespmem:$0x1A400] =	vst v63  }
0x3a: {  	s22 =	simm.s32 $0x800  }
0x3b: {  	[tilespmem:s29], [sflag:$0x1] =	stream.indirect.gather [hbm4b:s3+s9], $0x20, s22, s9, $0xb8;
	[tilespmem:$0x1A400] =	vst v63  }
0x3c: {  	s5 =	simm.s32 $0x880  }
0x3d: {  	[tilespmem:s0], [sflag:$0x1] =	stream.indirect.gather [hbm4b:s3+s9], $0x20, s5, s9, $0xb8;
	[tilespmem:$0x1A400] =	vst v63  }
0x3e: {  	s6 =	simm.s32 $0x900  }
0x3f: {  	[tilespmem:s18], [sflag:$0x1] =	stream.indirect.gather [hbm4b:s3+s9], $0x20, s6, s9, $0xb8;
	[tilespmem:$0x1A400] =	vst v63  }
0x40: {  	s22 =	simm.s32 $0x980  }
0x41: {  	[tilespmem:s26], [sflag:$0x1] =	stream.indirect.gather [hbm4b:s3+s9], $0x20, s22, s9, $0xb8;
	[tilespmem:$0x1A400] =	vst v63  }
0x42: {  	_ =	swait.ge [sflag:s31], $0x1000  }
0x43: {  	[sflag:s31] =	ssyncset.done $0x0  }
0x44: {  	[sflag:s31] =	ssyncadd.s32 $0xFFFFF000  }
0x45: {  	_ =	swait.ge [sflag:s31], $0x1000  }
0x46: {  	[sflag:s31] =	ssyncset.done $0x0  }
0x47: {  	[sflag:s31] =	ssyncadd.s32 $0xFFFFF000  }
0x48: {  	_ =	swait.ge [sflag:s31], $0x1000  }
0x49: {  	[sflag:s31] =	ssyncset.done $0x0  }
0x4a: {  	[sflag:s31] =	ssyncadd.s32 $0xFFFFF000  }
0x4b: {  	_ =	swait.ge [sflag:s31], $0x1000  }
0x4c: {  	[sflag:s31] =	ssyncset.done $0x0  }
0x4d: {  	[sflag:s31] =	ssyncadd.s32 $0xFFFFF000  }
0x4e: {  	_ =	swait.ge [sflag:s31], $0x1000  }
0x4f: {  	[sflag:s31] =	ssyncset.done $0x0  }
0x50: {  	[sflag:s31] =	ssyncadd.s32 $0xFFFFF000  }
0x51: {  	_ =	swait.ge [sflag:s31], $0x1000  }
0x52: {  	[sflag:s31] =	ssyncset.done $0x0  }
0x53: {  	[sflag:s31] =	ssyncadd.s32 $0xFFFFF000  }
0x54: {  	_ =	swait.ge [sflag:s31], $0x1000  }
0x55: {  	[sflag:s31] =	ssyncset.done $0x0  }
0x56: {  	[sflag:s31] =	ssyncadd.s32 $0xFFFFF000  }
0x57: {  	_ =	swait.ge [sflag:s31], $0x1000  }
0x58: {  	[sflag:s31] =	ssyncset.done $0x0  }
0x59: {  	[sflag:s31] =	ssyncadd.s32 $0xFFFFF000  }
0x5a: {  	_ =	swait.ge [sflag:s31], $0x1000  }
0x5b: {  	[sflag:s31] =	ssyncset.done $0x0  }
0x5c: {  	[sflag:s31] =	ssyncadd.s32 $0xFFFFF000  }
0x5d: {  	_ =	swait.ge [sflag:s31], $0x1000  }
0x5e: {  	s5 =	rddreg [dreg:$0x4];
	[sflag:s31] =	ssyncset.done $0x0  }
0x5f: {  	[sflag:s31] =	ssyncadd.s32 $0xFFFFF000;
	s4 =	sadd.s32 $0x0, s5  }
0x60: {  	[hbm4b:s4+s2] =	stream.linear.scatter [tilespmem:s10], [sflag:$0x2], $0xA000, $0x38;
	[tilespmem:$0x1A400] =	vst v63  }
0x61: {  	_ =	swait.ge [sflag:s8], $0xA000  }
0x62: {  	[sflag:s8] =	ssyncset.done $0x0  }
0x63: {  	s6 =	simm.s32 $0xA00;
	[sflag:s8] =	ssyncadd.s32 $0xFFFF6000  }
0x64: {  	[tilespmem:s10], [sflag:$0x1] =	stream.indirect.gather [hbm4b:s3+s9], $0x20, s6, s9, $0xb8;
	[tilespmem:$0x1A400] =	vst v63  }
0x65: {  	s22 =	simm.s32 $0xA80  }
0x66: {  	[tilespmem:s11], [sflag:$0x1] =	stream.indirect.gather [hbm4b:s3+s9], $0x20, s22, s9, $0xb8;
	[tilespmem:$0x1A400] =	vst v63  }
0x67: {  	s5 =	simm.s32 $0xB00  }
0x68: {  	[tilespmem:s13], [sflag:$0x1] =	stream.indirect.gather [hbm4b:s3+s9], $0x20, s5, s9, $0xb8;
	[tilespmem:$0x1A400] =	vst v63  }
0x69: {  	s6 =	simm.s32 $0xB80  }
0x6a: {  	[tilespmem:s15], [sflag:$0x1] =	stream.indirect.gather [hbm4b:s3+s9], $0x20, s6, s9, $0xb8;
	[tilespmem:$0x1A400] =	vst v63  }
0x6b: {  	s22 =	simm.s32 $0xC00  }
0x6c: {  	[tilespmem:s17], [sflag:$0x1] =	stream.indirect.gather [hbm4b:s3+s9], $0x20, s22, s9, $0xb8;
	[tilespmem:$0x1A400] =	vst v63  }
0x6d: {  	s5 =	simm.s32 $0xC80  }
0x6e: {  	[tilespmem:s19], [sflag:$0x1] =	stream.indirect.gather [hbm4b:s3+s9], $0x20, s5, s9, $0xb8;
	[tilespmem:$0x1A400] =	vst v63  }
0x6f: {  	s6 =	simm.s32 $0xD00  }
0x70: {  	[tilespmem:s21], [sflag:$0x1] =	stream.indirect.gather [hbm4b:s3+s9], $0x20, s6, s9, $0xb8;
	[tilespmem:$0x1A400] =	vst v63  }
0x71: {  	s22 =	simm.s32 $0xD80  }
0x72: {  	[tilespmem:s23], [sflag:$0x1] =	stream.indirect.gather [hbm4b:s3+s9], $0x20, s22, s9, $0xb8;
	[tilespmem:$0x1A400] =	vst v63  }
0x73: {  	s5 =	simm.s32 $0xE00  }
0x74: {  	[tilespmem:s25], [sflag:$0x1] =	stream.indirect.gather [hbm4b:s3+s9], $0x20, s5, s9, $0xb8;
	[tilespmem:$0x1A400] =	vst v63  }
0x75: {  	s6 =	simm.s32 $0xE80  }
0x76: {  	[tilespmem:s28], [sflag:$0x1] =	stream.indirect.gather [hbm4b:s3+s9], $0x20, s6, s9, $0xb8;
	[tilespmem:$0x1A400] =	vst v63  }
0x77: {  	_ =	swait.ge [sflag:s31], $0x1000  }
0x78: {  	[sflag:s31] =	ssyncset.done $0x0  }
0x79: {  	[sflag:s31] =	ssyncadd.s32 $0xFFFFF000  }
0x7a: {  	_ =	swait.ge [sflag:s31], $0x1000  }
0x7b: {  	[sflag:s31] =	ssyncset.done $0x0  }
0x7c: {  	[sflag:s31] =	ssyncadd.s32 $0xFFFFF000  }
0x7d: {  	_ =	swait.ge [sflag:s31], $0x1000  }
0x7e: {  	[sflag:s31] =	ssyncset.done $0x0  }
0x7f: {  	[sflag:s31] =	ssyncadd.s32 $0xFFFFF000  }
0x80: {  	_ =	swait.ge [sflag:s31], $0x1000  }
0x81: {  	[sflag:s31] =	ssyncset.done $0x0  }
0x82: {  	[sflag:s31] =	ssyncadd.s32 $0xFFFFF000  }
0x83: {  	_ =	swait.ge [sflag:s31], $0x1000  }
0x84: {  	[sflag:s31] =	ssyncset.done $0x0  }
0x85: {  	[sflag:s31] =	ssyncadd.s32 $0xFFFFF000  }
0x86: {  	_ =	swait.ge [sflag:s31], $0x1000  }
0x87: {  	[sflag:s31] =	ssyncset.done $0x0  }
0x88: {  	[sflag:s31] =	ssyncadd.s32 $0xFFFFF000  }
0x89: {  	_ =	swait.ge [sflag:s31], $0x1000  }
0x8a: {  	[sflag:s31] =	ssyncset.done $0x0  }
0x8b: {  	[sflag:s31] =	ssyncadd.s32 $0xFFFFF000  }
0x8c: {  	_ =	swait.ge [sflag:s31], $0x1000  }
0x8d: {  	[sflag:s31] =	ssyncset.done $0x0  }
0x8e: {  	[sflag:s31] =	ssyncadd.s32 $0xFFFFF000  }
0x8f: {  	_ =	swait.ge [sflag:s31], $0x1000  }
0x90: {  	[sflag:s31] =	ssyncset.done $0x0  }
0x91: {  	[sflag:s31] =	ssyncadd.s32 $0xFFFFF000  }
0x92: {  	_ =	swait.ge [sflag:s31], $0x1000  }
0x93: {  	s22 =	rddreg [dreg:$0x3];
	[sflag:s31] =	ssyncset.done $0x0  }
0x94: {  	[sflag:s31] =	ssyncadd.s32 $0xFFFFF000;
	s4 =	sadd.s32 $0x0, s22  }
0x95: {  	[hbm4b:s4+s2] =	stream.linear.scatter [tilespmem:s30], [sflag:$0x2], $0xA000, $0x38;
	[tilespmem:$0x1A400] =	vst v63  }
0x96: {  	_ =	swait.ge [sflag:s8], $0xA000  }
0x97: {  	[sflag:s8] =	ssyncset.done $0x0  }
0x98: {  	s5 =	simm.s32 $0xF00;
	[sflag:s8] =	ssyncadd.s32 $0xFFFF6000  }
0x99: {  	[tilespmem:s30], [sflag:$0x1] =	stream.indirect.gather [hbm4b:s3+s9], $0x20, s5, s9, $0xb8;
	[tilespmem:$0x1A400] =	vst v63  }
0x9a: {  	s6 =	simm.s32 $0xF80  }
0x9b: {  	[tilespmem:s1], [sflag:$0x1] =	stream.indirect.gather [hbm4b:s3+s9], $0x20, s6, s9, $0xb8;
	[tilespmem:$0x1A400] =	vst v63  }
0x9c: {  	s22 =	simm.s32 $0x1000  }
0x9d: {  	[tilespmem:s12], [sflag:$0x1] =	stream.indirect.gather [hbm4b:s3+s9], $0x20, s22, s9, $0xb8;
	[tilespmem:$0x1A400] =	vst v63  }
0x9e: {  	s5 =	simm.s32 $0x1080  }
0x9f: {  	[tilespmem:s16], [sflag:$0x1] =	stream.indirect.gather [hbm4b:s3+s9], $0x20, s5, s9, $0xb8;
	[tilespmem:$0x1A400] =	vst v63  }
0xa0: {  	s6 =	simm.s32 $0x1100  }
0xa1: {  	[tilespmem:s20], [sflag:$0x1] =	stream.indirect.gather [hbm4b:s3+s9], $0x20, s6, s9, $0xb8;
	[tilespmem:$0x1A400] =	vst v63  }
0xa2: {  	s22 =	simm.s32 $0x1180  }
0xa3: {  	[tilespmem:s24], [sflag:$0x1] =	stream.indirect.gather [hbm4b:s3+s9], $0x20, s22, s9, $0xb8;
	[tilespmem:$0x1A400] =	vst v63  }
0xa4: {  	s5 =	simm.s32 $0x1200  }
0xa5: {  	[tilespmem:s29], [sflag:$0x1] =	stream.indirect.gather [hbm4b:s3+s9], $0x20, s5, s9, $0xb8;
	[tilespmem:$0x1A400] =	vst v63  }
0xa6: {  	s6 =	simm.s32 $0x1280  }
0xa7: {  	[tilespmem:s0], [sflag:$0x1] =	stream.indirect.gather [hbm4b:s3+s9], $0x20, s6, s9, $0xb8;
	[tilespmem:$0x1A400] =	vst v63  }
0xa8: {  	s22 =	simm.s32 $0x1300  }
0xa9: {  	[tilespmem:s18], [sflag:$0x1] =	stream.indirect.gather [hbm4b:s3+s9], $0x20, s22, s9, $0xb8;
	[tilespmem:$0x1A400] =	vst v63  }
0xaa: {  	s4 =	simm.s32 $0x1380;
	s22 =	simm.s32 $0x2800  }
.LBB2_2:
0xab: {  	[tilespmem:s26], [sflag:$0x1] =	stream.indirect.gather [hbm4b:s3+s9], $0x20, s4, s9, $0xb8;
	[tilespmem:$0x1A400] =	vst v63  }
0xac: {  	_ =	swait.ge [sflag:s31], $0x1000  }
0xad: {  	[sflag:s31] =	ssyncset.done $0x0  }
0xae: {  	[sflag:s31] =	ssyncadd.s32 $0xFFFFF000  }
0xaf: {  	_ =	swait.ge [sflag:s31], $0x1000  }
0xb0: {  	[sflag:s31] =	ssyncset.done $0x0  }
0xb1: {  	[sflag:s31] =	ssyncadd.s32 $0xFFFFF000  }
0xb2: {  	_ =	swait.ge [sflag:s31], $0x1000  }
0xb3: {  	[sflag:s31] =	ssyncset.done $0x0  }
0xb4: {  	[sflag:s31] =	ssyncadd.s32 $0xFFFFF000  }
0xb5: {  	_ =	swait.ge [sflag:s31], $0x1000  }
0xb6: {  	[sflag:s31] =	ssyncset.done $0x0  }
0xb7: {  	[sflag:s31] =	ssyncadd.s32 $0xFFFFF000  }
0xb8: {  	_ =	swait.ge [sflag:s31], $0x1000  }
0xb9: {  	[sflag:s31] =	ssyncset.done $0x0  }
0xba: {  	[sflag:s31] =	ssyncadd.s32 $0xFFFFF000  }
0xbb: {  	_ =	swait.ge [sflag:s31], $0x1000  }
0xbc: {  	[sflag:s31] =	ssyncset.done $0x0  }
0xbd: {  	[sflag:s31] =	ssyncadd.s32 $0xFFFFF000  }
0xbe: {  	_ =	swait.ge [sflag:s31], $0x1000  }
0xbf: {  	[sflag:s31] =	ssyncset.done $0x0  }
0xc0: {  	[sflag:s31] =	ssyncadd.s32 $0xFFFFF000  }
0xc1: {  	_ =	swait.ge [sflag:s31], $0x1000  }
0xc2: {  	[sflag:s31] =	ssyncset.done $0x0  }
0xc3: {  	[sflag:s31] =	ssyncadd.s32 $0xFFFFF000  }
0xc4: {  	_ =	swait.ge [sflag:s31], $0x1000  }
0xc5: {  	[sflag:s31] =	ssyncset.done $0x0  }
0xc6: {  	[sflag:s31] =	ssyncadd.s32 $0xFFFFF000  }
0xc7: {  	_ =	swait.ge [sflag:s31], $0x1000  }
0xc8: {  	s4 =	smov.u32 s22;
	s5 =	rddreg [dreg:$0x4];
	[sflag:s31] =	ssyncset.done $0x0  }
0xc9: {  	[sflag:s31] =	ssyncadd.s32 $0xFFFFF000;
	s5 =	sadd.s32 s4, s5  }
0xca: {  	[hbm4b:s5+s2] =	stream.linear.scatter [tilespmem:s10], [sflag:$0x2], $0xA000, $0x38;
	[tilespmem:$0x1A400] =	vst v63  }
0xcb: {  	_ =	swait.ge [sflag:s8], $0xA000  }
0xcc: {  	s5 =	sshra.s32 s4, $0x2;
	[sflag:s8] =	ssyncset.done $0x0  }
0xcd: {  	s6 =	sadd.s32 $0xA00, s5;
	[sflag:s8] =	ssyncadd.s32 $0xFFFF6000  }
0xce: {  	[tilespmem:s10], [sflag:$0x1] =	stream.indirect.gather [hbm4b:s3+s9], $0x20, s6, s9, $0xb8;
	[tilespmem:$0x1A400] =	vst v63  }
0xcf: {  	s6 =	sadd.s32 $0xA80, s5  }
0xd0: {  	[tilespmem:s11], [sflag:$0x1] =	stream.indirect.gather [hbm4b:s3+s9], $0x20, s6, s9, $0xb8;
	[tilespmem:$0x1A400] =	vst v63  }
0xd1: {  	s6 =	sadd.s32 $0xB00, s5  }
0xd2: {  	[tilespmem:s13], [sflag:$0x1] =	stream.indirect.gather [hbm4b:s3+s9], $0x20, s6, s9, $0xb8;
	[tilespmem:$0x1A400] =	vst v63  }
0xd3: {  	s6 =	sadd.s32 $0xB80, s5  }
0xd4: {  	[tilespmem:s15], [sflag:$0x1] =	stream.indirect.gather [hbm4b:s3+s9], $0x20, s6, s9, $0xb8;
	[tilespmem:$0x1A400] =	vst v63  }
0xd5: {  	s6 =	sadd.s32 $0xC00, s5  }
0xd6: {  	[tilespmem:s17], [sflag:$0x1] =	stream.indirect.gather [hbm4b:s3+s9], $0x20, s6, s9, $0xb8;
	[tilespmem:$0x1A400] =	vst v63  }
0xd7: {  	s6 =	sadd.s32 $0xC80, s5  }
0xd8: {  	[tilespmem:s19], [sflag:$0x1] =	stream.indirect.gather [hbm4b:s3+s9], $0x20, s6, s9, $0xb8;
	[tilespmem:$0x1A400] =	vst v63  }
0xd9: {  	s6 =	sadd.s32 $0xD00, s5  }
0xda: {  	[tilespmem:s21], [sflag:$0x1] =	stream.indirect.gather [hbm4b:s3+s9], $0x20, s6, s9, $0xb8;
	[tilespmem:$0x1A400] =	vst v63  }
0xdb: {  	s6 =	sadd.s32 $0xD80, s5  }
0xdc: {  	[tilespmem:s23], [sflag:$0x1] =	stream.indirect.gather [hbm4b:s3+s9], $0x20, s6, s9, $0xb8;
	[tilespmem:$0x1A400] =	vst v63  }
0xdd: {  	s6 =	sadd.s32 $0xE00, s5  }
0xde: {  	[tilespmem:s25], [sflag:$0x1] =	stream.indirect.gather [hbm4b:s3+s9], $0x20, s6, s9, $0xb8;
	[tilespmem:$0x1A400] =	vst v63  }
0xdf: {  	s6 =	sadd.s32 $0xE80, s5  }
0xe0: {  	[tilespmem:s28], [sflag:$0x1] =	stream.indirect.gather [hbm4b:s3+s9], $0x20, s6, s9, $0xb8;
	[tilespmem:$0x1A400] =	vst v63  }
0xe1: {  	_ =	swait.ge [sflag:s31], $0x1000  }
0xe2: {  	[sflag:s31] =	ssyncset.done $0x0  }
0xe3: {  	[sflag:s31] =	ssyncadd.s32 $0xFFFFF000  }
0xe4: {  	_ =	swait.ge [sflag:s31], $0x1000  }
0xe5: {  	[sflag:s31] =	ssyncset.done $0x0  }
0xe6: {  	[sflag:s31] =	ssyncadd.s32 $0xFFFFF000  }
0xe7: {  	_ =	swait.ge [sflag:s31], $0x1000  }
0xe8: {  	[sflag:s31] =	ssyncset.done $0x0  }
0xe9: {  	[sflag:s31] =	ssyncadd.s32 $0xFFFFF000  }
0xea: {  	_ =	swait.ge [sflag:s31], $0x1000  }
0xeb: {  	[sflag:s31] =	ssyncset.done $0x0  }
0xec: {  	[sflag:s31] =	ssyncadd.s32 $0xFFFFF000  }
0xed: {  	_ =	swait.ge [sflag:s31], $0x1000  }
0xee: {  	[sflag:s31] =	ssyncset.done $0x0  }
0xef: {  	[sflag:s31] =	ssyncadd.s32 $0xFFFFF000  }
0xf0: {  	_ =	swait.ge [sflag:s31], $0x1000  }
0xf1: {  	[sflag:s31] =	ssyncset.done $0x0  }
0xf2: {  	[sflag:s31] =	ssyncadd.s32 $0xFFFFF000  }
0xf3: {  	_ =	swait.ge [sflag:s31], $0x1000  }
0xf4: {  	[sflag:s31] =	ssyncset.done $0x0  }
0xf5: {  	[sflag:s31] =	ssyncadd.s32 $0xFFFFF000  }
0xf6: {  	_ =	swait.ge [sflag:s31], $0x1000  }
0xf7: {  	[sflag:s31] =	ssyncset.done $0x0  }
0xf8: {  	[sflag:s31] =	ssyncadd.s32 $0xFFFFF000  }
0xf9: {  	_ =	swait.ge [sflag:s31], $0x1000  }
0xfa: {  	[sflag:s31] =	ssyncset.done $0x0  }
0xfb: {  	[sflag:s31] =	ssyncadd.s32 $0xFFFFF000  }
0xfc: {  	_ =	swait.ge [sflag:s31], $0x1000  }
0xfd: {  	s6 =	rddreg [dreg:$0x3];
	[sflag:s31] =	ssyncset.done $0x0  }
0xfe: {  	[sflag:s31] =	ssyncadd.s32 $0xFFFFF000;
	s4 =	sadd.s32 s4, s6  }
0xff: {  	[hbm4b:s4+s2] =	stream.linear.scatter [tilespmem:s30], [sflag:$0x2], $0xA000, $0x38;
	[tilespmem:$0x1A400] =	vst v63  }
0x100: {  	_ =	swait.ge [sflag:s8], $0xA000  }
0x101: {  	[sflag:s8] =	ssyncset.done $0x0  }
0x102: {  	s6 =	sadd.s32 $0xF00, s5;
	[sflag:s8] =	ssyncadd.s32 $0xFFFF6000  }
0x103: {  	[tilespmem:s30], [sflag:$0x1] =	stream.indirect.gather [hbm4b:s3+s9], $0x20, s6, s9, $0xb8;
	[tilespmem:$0x1A400] =	vst v63  }
0x104: {  	s6 =	sadd.s32 $0xF80, s5  }
0x105: {  	[tilespmem:s1], [sflag:$0x1] =	stream.indirect.gather [hbm4b:s3+s9], $0x20, s6, s9, $0xb8;
	[tilespmem:$0x1A400] =	vst v63  }
0x106: {  	s6 =	sadd.s32 $0x1000, s5  }
0x107: {  	[tilespmem:s12], [sflag:$0x1] =	stream.indirect.gather [hbm4b:s3+s9], $0x20, s6, s9, $0xb8;
	[tilespmem:$0x1A400] =	vst v63  }
0x108: {  	s6 =	sadd.s32 $0x1080, s5  }
0x109: {  	[tilespmem:s16], [sflag:$0x1] =	stream.indirect.gather [hbm4b:s3+s9], $0x20, s6, s9, $0xb8;
	[tilespmem:$0x1A400] =	vst v63  }
0x10a: {  	s6 =	sadd.s32 $0x1100, s5  }
0x10b: {  	[tilespmem:s20], [sflag:$0x1] =	stream.indirect.gather [hbm4b:s3+s9], $0x20, s6, s9, $0xb8;
	[tilespmem:$0x1A400] =	vst v63  }
0x10c: {  	s6 =	sadd.s32 $0x1180, s5  }
0x10d: {  	[tilespmem:s24], [sflag:$0x1] =	stream.indirect.gather [hbm4b:s3+s9], $0x20, s6, s9, $0xb8;
	[tilespmem:$0x1A400] =	vst v63  }
0x10e: {  	p0 =	sne.s32 s22, $0x14000;
	s6 =	sadd.s32 $0x1200, s5  }
0x10f: {  	[tilespmem:s29], [sflag:$0x1] =	stream.indirect.gather [hbm4b:s3+s9], $0x20, s6, s9, $0xb8;
	[tilespmem:$0x1A400] =	vst v63  }
.Ltmp0:
0x110: {  	_ = 	snop;
	(pc) =	sbr.rel @p0 .LBB2_2-.Ltmp0, $4  }
0x111: {  	s6 =	sadd.s32 $0x1280, s5  }
0x112: {  	[tilespmem:s0], [sflag:$0x1] =	stream.indirect.gather [hbm4b:s3+s9], $0x20, s6, s9, $0xb8;
	[tilespmem:$0x1A400] =	vst v63  }
0x113: {  	s22 =	sadd.s32 $0x2800, s22;
	s4 =	sadd.s32 $0x1380, s5;
	s6 =	sadd.s32 $0x1300, s5  }
0x114: {  	[tilespmem:s18], [sflag:$0x1] =	stream.indirect.gather [hbm4b:s3+s9], $0x20, s6, s9, $0xb8;
	[tilespmem:$0x1A400] =	vst v63  }
0x115: {  	[tilespmem:s26], [sflag:$0x1] =	stream.indirect.gather [hbm4b:s3+s9], $0x20, s4, s9, $0xb8;
	[tilespmem:$0x1A400] =	vst v63  }
0x116: {  	_ =	swait.ge [sflag:s31], $0x1000  }
0x117: {  	[sflag:s31] =	ssyncset.done $0x0  }
0x118: {  	[sflag:s31] =	ssyncadd.s32 $0xFFFFF000  }
0x119: {  	_ =	swait.ge [sflag:s31], $0x1000  }
0x11a: {  	[sflag:s31] =	ssyncset.done $0x0  }
0x11b: {  	[sflag:s31] =	ssyncadd.s32 $0xFFFFF000  }
0x11c: {  	_ =	swait.ge [sflag:s31], $0x1000  }
0x11d: {  	[sflag:s31] =	ssyncset.done $0x0  }
0x11e: {  	[sflag:s31] =	ssyncadd.s32 $0xFFFFF000  }
0x11f: {  	_ =	swait.ge [sflag:s31], $0x1000  }
0x120: {  	[sflag:s31] =	ssyncset.done $0x0  }
0x121: {  	[sflag:s31] =	ssyncadd.s32 $0xFFFFF000  }
0x122: {  	_ =	swait.ge [sflag:s31], $0x1000  }
0x123: {  	[sflag:s31] =	ssyncset.done $0x0  }
0x124: {  	[sflag:s31] =	ssyncadd.s32 $0xFFFFF000  }
0x125: {  	_ =	swait.ge [sflag:s31], $0x1000  }
0x126: {  	[sflag:s31] =	ssyncset.done $0x0  }
0x127: {  	[sflag:s31] =	ssyncadd.s32 $0xFFFFF000  }
0x128: {  	_ =	swait.ge [sflag:s31], $0x1000  }
0x129: {  	[sflag:s31] =	ssyncset.done $0x0  }
0x12a: {  	[sflag:s31] =	ssyncadd.s32 $0xFFFFF000  }
0x12b: {  	_ =	swait.ge [sflag:s31], $0x1000  }
0x12c: {  	[sflag:s31] =	ssyncset.done $0x0  }
0x12d: {  	[sflag:s31] =	ssyncadd.s32 $0xFFFFF000  }
0x12e: {  	_ =	swait.ge [sflag:s31], $0x1000  }
0x12f: {  	[sflag:s31] =	ssyncset.done $0x0  }
0x130: {  	[sflag:s31] =	ssyncadd.s32 $0xFFFFF000  }
0x131: {  	_ =	swait.ge [sflag:s31], $0x1000  }
0x132: {  	[sflag:s31] =	ssyncset.done $0x0  }
0x133: {  	s6 =	rddreg [dreg:$0x6];
	[sflag:s31] =	ssyncadd.s32 $0xFFFFF000  }
0x134: {  	[hbm4b:s6+s2] =	stream.linear.scatter [tilespmem:s10], [sflag:$0x2], $0xA000, $0x38;
	[tilespmem:$0x1A400] =	vst v63  }
0x135: {  	_ =	swait.ge [sflag:s8], $0xA000  }
0x136: {  	[sflag:s8] =	ssyncset.done $0x0  }
0x137: {  	[sflag:s8] =	ssyncadd.s32 $0xFFFF6000  }
0x138: {  	_ =	swait.ge [sflag:s31], $0x1000  }
0x139: {  	[sflag:s31] =	ssyncset.done $0x0  }
0x13a: {  	[sflag:s31] =	ssyncadd.s32 $0xFFFFF000  }
0x13b: {  	_ =	swait.ge [sflag:s31], $0x1000  }
0x13c: {  	[sflag:s31] =	ssyncset.done $0x0  }
0x13d: {  	[sflag:s31] =	ssyncadd.s32 $0xFFFFF000  }
0x13e: {  	_ =	swait.ge [sflag:s31], $0x1000  }
0x13f: {  	[sflag:s31] =	ssyncset.done $0x0  }
0x140: {  	[sflag:s31] =	ssyncadd.s32 $0xFFFFF000  }
0x141: {  	_ =	swait.ge [sflag:s31], $0x1000  }
0x142: {  	[sflag:s31] =	ssyncset.done $0x0  }
0x143: {  	[sflag:s31] =	ssyncadd.s32 $0xFFFFF000  }
0x144: {  	_ =	swait.ge [sflag:s31], $0x1000  }
0x145: {  	[sflag:s31] =	ssyncset.done $0x0  }
0x146: {  	[sflag:s31] =	ssyncadd.s32 $0xFFFFF000  }
0x147: {  	_ =	swait.ge [sflag:s31], $0x1000  }
0x148: {  	[sflag:s31] =	ssyncset.done $0x0  }
0x149: {  	[sflag:s31] =	ssyncadd.s32 $0xFFFFF000  }
0x14a: {  	_ =	swait.ge [sflag:s31], $0x1000  }
0x14b: {  	[sflag:s31] =	ssyncset.done $0x0  }
0x14c: {  	[sflag:s31] =	ssyncadd.s32 $0xFFFFF000  }
0x14d: {  	_ =	swait.ge [sflag:s31], $0x1000  }
0x14e: {  	[sflag:s31] =	ssyncset.done $0x0  }
0x14f: {  	[sflag:s31] =	ssyncadd.s32 $0xFFFFF000  }
0x150: {  	_ =	swait.ge [sflag:s31], $0x1000  }
0x151: {  	[sflag:s31] =	ssyncset.done $0x0  }
0x152: {  	[sflag:s31] =	ssyncadd.s32 $0xFFFFF000  }
0x153: {  	s14 =	sadd.s32 $0x1, s14;
	_ =	swait.ge [sflag:s31], $0x1000  }
0x154: {  	p0 =	sne.s32 s14, s7;
	[sflag:s31] =	ssyncset.done $0x0  }
.Ltmp1:
0x155: {  	s22 =	rddreg [dreg:$0x7];
	[sflag:s31] =	ssyncadd.s32 $0xFFFFF000;
	(pc) =	sbr.rel @p0 .LBB2_1-.Ltmp1, $4  }
0x156: {  	[hbm4b:s22+s2] =	stream.linear.scatter [tilespmem:s30], [sflag:$0x2], $0xA000, $0x38;
	[tilespmem:$0x1A400] =	vst v63  }
0x157: {  	_ =	swait.ge [sflag:s8], $0xA000  }
0x158: {  	[sflag:s8] =	ssyncset.done $0x0  }
0x159: {  	[sflag:s8] =	ssyncadd.s32 $0xFFFF6000  }
0x15a: {  	_ =	sfence.sel $0x180000  }
0x15b: {  	[bflag:$0x0] =	sbarrier.arrive $0xFFFF  }
0x15c: {  	_ =	strace $0x90000047  }
0x15d: {  	s0 =	stileid.u32;
	[bflag:$0x2] =	sbarrier.arrive $0xFFFF  }
0x15e: {  	p0 =	sne.s32 s0, $0x0;
	s0 =	rddreg [dreg:$0x2]  }
0x15f: {  	s0 =	sadd.s32 @!p0 $0x100000, s0  }
0x160: {  	[sflag:s0] =	ssyncadd.tile.s32 @!p0 $0x1;
	_ =	shalt  }
.Lfunc_end2:
_tile_overlayer_lowered:
.L_overlay_start_2:
0x161: {  	(tag) =	ssettag $0x2  }
0x162: {  	s0 =	rddreg [dreg:$0x0];
	s2 =	stileid.u32  }
0x163: {  	s1 =	rddreg [dreg:$0x1];
	p0 =	sne.s32 s2, $0x0  }
0x164: {  	s3 =	rddreg [dreg:$0x2];
	[bflag:$0x3] =	sbarrier.arrive $0xFFFF;
	s2 =	simm.s32 @!p0 $0x1C02  }
0x165: {  	[timem:s3], [sflag:s2] =	dma.local @!p0 [hbm:s0], s1  }
0x166: {  	s0 =	simm.s32 @!p0 $0x2  }
0x167: {  	_ =	swait.ge @!p0 [sflag:s0], s1  }
0x168: {  	s1 =	ssub.s32 @!p0 $0x0, s1;
	[sflag:s0] =	ssyncset.done @!p0 $0x0  }
0x169: {  	[sflag:s0] =	ssyncadd.s32 @!p0 s1  }
0x16a: {  	[bflag:$0x3] =	sbarrier.arrive $0xFFFF  }
0x16b: {  	_ =	shalt  }

// kernel: sparse-core-data-format-call.cloned.1.call-start
scs
called_computation_lowered:
.L_overlay_start_0:
0x0: {  	s2 =	sld [smem:$0x3FD9]  }
0x1: {  	s3 =	sld [smem:$0x3FFE];
	_ =	sdelay $0x1  }
0x2: {  	s1 =	srdreg.scid  }
0x3: {  	s0 =	sand.u32 $0x1, s1  }
0x4: {  	s18 =	sshll.u32 s0, $0xA;
	s2 =	sadd.s32 s3, s2  }
0x5: {  	s2 =	sadd.s32 s2, s18  }
0x6: {  	[smem:$0x3FC6] =	sst s2  }
0x7: {  	_ = 	snop  }
0x8: {  	s2 =	sld [smem:$0x3FD0];
	(tm) =	ssettm $0x1  }
0x9: {  	s19 =	sld [smem:$0x3FFB];
	_ =	sdelay $0x3  }
0xa: {  	_ =	strace s19  }
0xb: {  	s3 =	sld [smem:$0x3FFC];
	_ =	sdelay $0x3  }
0xc: {  	_ =	strace s3  }
0xd: {  	s3 =	sld [smem:$0x3FFD];
	_ =	sdelay $0x3  }
0xe: {  	_ =	strace s3  }
0xf: {  	_ =	strace $0x8FFFFFFF  }
0x10: {  	s20 =	sld [smem:$0x3FDB];
	_ =	sdelay $0x1  }
0x11: {  	s4 =	simm.s32 $_scs_section_size  }
0x12: {  	s5 =	simm.s32 $_size__tile_overlayer_lowered;
	s6 =	simm.s32 $_tile_overlayer_lowered  }
0x13: {  	s23 =	simm.s32 $0x1BFF;
	s22 =	sshll.u32 s6, $0x1;
	s3 =	sadd.s32 s4, s20  }
0x14: {  	s7 =	simm.s32 $0x0;
	s21 =	sshll.u32 s5, $0x1;
	s5 =	sadd.s32 s22, s3  }
0x15: {  	[timem:s7], [sflag:s23] =	dma.local [hbm:s5], s21  }
0x16: {  	_ =	swait.ge [sflag:s23], s21  }
0x17: {  	s4 =	ssub.s32 $0x0, s21;
	[sflag:s23] =	ssyncset.done $0x0  }
0x18: {  	[sflag:s23] =	ssyncadd.s32 s4;
	_ =	sdelay $0x1  }
0x19: {  	s24 =	simm.s32 $0x1B8B  }
0x1a: {  	_ =	swait.ge [sflag:s24], $0x1  }
0x1b: {  	[sflag:s24] =	ssyncset.done $0x0  }
0x1c: {  	s26 =	simm.s32 $0x1B8E;
	s25 =	sld [smem:$0x3FFE];
	[sflag:s24] =	ssyncadd.s32 $0xFFFFFFFF  }
0x1d: {  	s27 =	simm.s32 $execute0_lowered;
	[smem:$0x3FD2] =	sst s26  }
0x1e: {  	s5 =	sshll.u32 s27, $0x1;
	_ =	strace $0x80000049;
	[dreg:$0x1] =	wrdreg $0xFFFFFFFF  }
0x1f: {  	s28 =	simm.s32 $_size_execute0_lowered;
	s3 =	sadd.s32 s3, s5;
	[dreg:$0x0] =	wrdreg $0x0  }
0x20: {  	s5 =	sshll.u32 s28, $0x1;
	[dreg:$0x2] =	wrdreg s3  }
0x21: {  	[dreg:$0x3] =	wrdreg s5  }
0x22: {  	[dreg:$0x4] =	wrdreg $0xC0  }
0x23: {  	_ =	task [dreg:s7], $0x5FFFF  }
0x24: {  	[dreg:$0x1] =	wrdreg $0xFFFFFFFF  }
0x25: {  	[dreg:$0x0] =	wrdreg $0x60  }
0x26: {  	[dreg:$0x2] =	wrdreg s25  }
0x27: {  	[dreg:$0x3] =	wrdreg s2  }
0x28: {  	[dreg:$0x4] =	wrdreg $0x9  }
0x29: {  	_ =	task.clear_ibuf [dreg:s7], $0x5FFFF;
	_ =	strace $0x90000049  }
0x2a: {  	s29 =	simm.s32 $0x9;
	_ =	strace $0x8000004B  }
0x2b: {  	_ =	swait.ge [sflag:s29], $0x1  }
0x2c: {  	[sflag:s29] =	ssyncadd.s32 $0xFFFFFFFF  }
0x2d: {  	_ =	strace $0x9000004B  }
0x2e: {  	_ =	sfence  }
0x2f: {  	s30 =	sld [smem:$0x0];
	_ =	sdelay $0x2  }
0x30: {  	s31 =	sshll.u32 s1, $0xD;
	s1 =	sshrl.u32 s1, $0x2  }
0x31: {  	s3 =	sand.u32 $0x4000, s31;
	s1 =	sadd.s32 s1, s30  }
0x32: {  	s0 =	sor.u32 s3, s0;
	s1 =	sshll.u32 s1, $0x11  }
0x33: {  	s0 =	sor.u32 s1, s0  }
0x34: {  	s0 =	sadd.s32 $0x8F2B, s0  }
0x35: {  	[sflag:s0] =	ssyncadd.remote.s32 $0x1  }
0x36: {  	_ =	sfence.sel $0xFFFF  }
0x37: {  	[dreg:$0x0] =	wrdreg $0xFFFFFFFF;
	(pc) =	sbr.abs _section_cstart, $3  }
0x38: {  	[dreg:$0x1] =	wrdreg $0xFFFFFFFF  }
0x39: {  	_ =	task.clear_ibuf [dreg:s7], $0x2FFFF;
	_ =	strace $0x9FFFFFFF  }
0x3a: {  	(tm) =	ssettm $0x7FFFFFFF  }
0x3b: {  	_ =	shalt  }
tec
execute0_lowered:
.L_overlay_start_1:
0x0: {  	(tag) =	ssettag $0x1  }
0x1: {  	s0 =	srdreg.scid  }
0x2: {  	s1 =	sshll.u32 s0, $0x4  }
0x3: {  	s0 =	stileid.u32;
	s1 =	sand.u32 $0x10, s1  }
0x4: {  	s1 =	sor.u32 s0, s1  }
0x5: {  	s6 =	rddreg [dreg:$0x0];
	s4 =	simm.s32 $0x1;
	s2 =	sshll.u32 s1, $0x7  }
0x6: {  	s7 =	simm.s32 $0x2;
	s12 =	simm.s32 $0x0;
	s1 =	ssub.s32 $0x1000, s2  }
0x7: {  	s8 =	simm.s32 $0x8000;
	s13 =	simm.s32 $0x0;
	s3 =	sand.u32 $0xF80, s1  }
0x8: {  	s9 =	simm.s32 $0x0;
	s5 =	sshrl.u32 s1, $0xC;
	p0 =	sne.s32 s3, $0x0  }
.Ltmp0:
0x9: {  	s1 =	rddreg [dreg:$0x2];
	s4 =	simm.s32 @!p0 $0x0;
	(pc) =	sbr.rel .LBB1_1-.Ltmp0, $4  }
0xa: {  	s11 =	simm.s32 $0x0;
	s3 =	rddreg [dreg:$0x1];
	s5 =	sadd.s32 s4, s5  }
0xb: {  	_ =	strace $0x8000004A;
	s4 =	simm.s32 $0x1;
	s5 =	smul.u32 $0xC8, s5  }
0xc: {  	s6 =	sadd.s32 $0xA00, s6;
	s10 =	smov.u32 s2;
	[sflag:s4] =	ssyncpa.u1 $0x0  }
0xd: {  	p0 =	por $0x0, $0x0;
	[sflag:s7] =	ssyncpa.u1 $0x0;
	s7 =	sor.u32 $0x1, s5  }
.LBB1_4:
0xe: {  	s16 =	sshll.u32 s13, $0x3;
	s17 =	sand.u32 $0x78, s13  }
0xf: {  	s30 =	sand.u32 $0x3E00, s13;
	s12 =	sshll.u32 s12, $0xE;
	s16 =	sand.u32 $0xC00, s16  }
0x10: {  	s31 =	sand.u32 $0x7, s13;
	s16 =	sor.u32 s17, s16;
	s17 =	sadd.s32 s3, s30  }
0x11: {  	s13 =	sshll.u32 s31, $0x12;
	s16 =	sshrl.u32 s16, $0x3;
	s12 =	sadd.s32 s12, s17  }
0x12: {  	[tilespmem:s15+$0x0 ss:$0x81] =	vst.msk $0xffff, v0;
	s13 =	sor.u32 $0x400, s13;
	s12 =	sadd.s32 s16, s12  }
0x13: {  	[hbm4b:s12+s13] =	stream.strided.scatter [tilespmem:s14], [sflag:$0x2], $0x1000, s8, s13, $0x20;
	[tilespmem:$0x4040] =	vst v63  }
.LBB1_5:
0x14: {  	s14 =	sadd.s32 $0x1, s9  }
0x15: {  	s12 =	sadd.s32 $0x1000, s10;
	s16 =	smov.u32 s10;
	p2 =	sgt.s32 s14, $0xC7  }
0x16: {  	s16 =	smov.u32 @p2 s12  }
0x17: {  	s14 =	simm.s32 @p2 $0x0;
	p2 =	sgt.s32 s16, $0xFFF  }
0x18: {  	s16 =	smov.u32 @p2 s2;
	p2 =	sne.s32 s11, s7  }
.Ltmp1:
0x19: {  	p1 =	slt.u32 s11, $0x2;
	(pc) =	sbr.rel @!p2 .LBB1_6-.Ltmp1, $4  }
0x1a: {  	s15 =	simm.s32 @!p1 $0x2  }
0x1b: {  	s13 =	smov.u32 s10;
	p0 =	por !p0, !p0;
	_ =	swait.ge @!p1 [sflag:s15], $0x1000  }
0x1c: {  	s12 =	smov.u32 s9;
	[sflag:s15] =	ssyncset.done @!p1 $0x0;
	s9 =	smov.u32 s14  }
0x1d: {  	s11 =	sadd.s32 $0x1, s11;
	[sflag:s15] =	ssyncadd.s32 @!p1 $0xFFFFF000;
	s10 =	smov.u32 s16  }
.LBB1_1:
0x1e: {  	p1 =	sge.u32 s11, s5  }
0x1f: {  	s14 =	sand.u32 @!p1 $0x1FFFFFF, s9  }
0x20: {  	s15 =	smulhi.u32 @!p1 $0x147AE15, s14;
	_ =	sdelay $0x1  }
0x21: {  	s15 =	smul.u32 @!p1 $0xC8, s15  }
0x22: {  	s16 =	sxor.u32 @!p1 $0xFFFFFFFF, s11;
	s17 =	smul.u32 @!p1 $0xC80, s10  }
0x23: {  	s31 =	sadd.s32 $0xFFFFFFFF, s11;
	s16 =	sshll.u32 @!p1 s16, $0xC;
	s14 =	ssub.s32 @!p1 s14, s15  }
0x24: {  	s15 =	sand.u32 @!p1 $0x1000, s16;
	s16 =	sadd.s32 @!p1 s6, s17;
	s14 =	sshll.u32 @!p1 s14, $0x4  }
0x25: {  	s17 =	simm.s32 @!p1 $0x6400;
	s14 =	sadd.s32 @!p1 s14, s16;
	s16 =	simm.s32 @!p1 $0x20  }
0x26: {  	[tilespmem:s15], [sflag:$0x1] =	stream.strided.gather @!p1 [hbm4b:s14+s16], $0x1000, s17, s16, $0x38;
	[tilespmem:$0x4040] =	vst v63  }
0x27: {  	p1 =	sge.u32 s31, s5  }
.Ltmp2:
0x28: {  	_ = 	snop;
	(pc) =	sbr.rel @p1 .LBB1_5-.Ltmp2, $1  }
0x29: {  	_ =	sdelay $0x3  }
0x2a: {  	s14 =	simm.s32 $0x1  }
0x2b: {  	_ =	swait.ge [sflag:s4], $0x1000;
	s14 =	simm.s32 @!p0 $0x0  }
0x2c: {  	[sflag:s4] =	ssyncset.done $0x0;
	s15 =	sshll.u32 s14, $0xC  }
0x2d: {  	[sflag:s4] =	ssyncadd.s32 $0xFFFFF000;
	s18 =	sor.u32 $0x10, s15  }
0x2e: {  	s14 =	smul.u32 $0x4080, s14;
	v1 =	vld [tilespmem:s18+$0x0]  }
0x2f: {  	s30 =	sand.u32 $0x1, s11;
	v0 =	vld [tilespmem:s18+$0xFFFFFFF0]  }
0x30: {  	s15 =	smul.u32 $0x4080, s30;
	s14 =	sshrl.u32 s14, $0x2  }
0x31: {  	s16 =	sor.u32 $0x2000, s14  }
0x32: {  	s31 =	sshrl.u32 s15, $0x2;
	s15 =	sadd.s32 $0x0, s16  }
0x33: {  	s17 =	simm.s32 $0x4;
	s18 =	sadd.s32 $0x20, s18;
	s14 =	sor.u32 $0x2000, s31;
	[tilespmem:s15+$0x810 ss:$0x81] =	vst.msk $0xffff, v1  }
.LBB1_3:
0x34: {  	v1 =	vld [tilespmem:s18+$0x0];
	p1 =	sne.s32 s17, $0x1FC;
	[tilespmem:s15+$0x0 ss:$0x81] =	vst.msk $0xffff, v0;
	s15 =	smov.u32 s17;
	s17 =	sadd.s32 $0x4, s17  }
.Ltmp3:
0x35: {  	v0 =	vld [tilespmem:s18+$0xFFFFFFF0];
	(pc) =	sbr.rel @p1 .LBB1_3-.Ltmp3, $4  }
0x36: {  	_ = 	snop  }
0x37: {  	s15 =	sshra.s32 s15, $0x2  }
0x38: {  	s15 =	sadd.s32 s15, s16  }
0x39: {  	s18 =	sadd.s32 $0x20, s18;
	[tilespmem:s15+$0x810 ss:$0x81] =	vst.msk $0xffff, v1  }
.Ltmp4:
0x3a: {  	_ = 	snop;
	(pc) =	sbr.rel .LBB1_4-.Ltmp4, $1  }
0x3b: {  	_ =	sdelay $0x3  }
.LBB1_6:
0x3c: {  	_ =	sfence.sel $0x180000  }
0x3d: {  	s2 =	simm.s32 $0x1;
	[bflag:$0x0] =	sbarrier.arrive $0xFFFF  }
0x3e: {  	s31 =	simm.s32 $0x2;
	[sflag:s2] =	ssyncpa.u1 $0x1  }
0x3f: {  	[sflag:s31] =	ssyncpa.u1 $0x1  }
0x40: {  	p0 =	sne.s32 s0, $0x0;
	_ =	strace $0x9000004A  }
0x41: {  	s0 =	sadd.s32 @!p0 $0x100000, s1;
	[bflag:$0x2] =	sbarrier.arrive $0xFFFF  }
0x42: {  	[sflag:s0] =	ssyncadd.tile.s32 @!p0 $0x1;
	_ =	shalt  }
.Lfunc_end1:
_tile_overlayer_lowered:
.L_overlay_start_2:
0x43: {  	(tag) =	ssettag $0x2  }
0x44: {  	s0 =	rddreg [dreg:$0x0];
	s2 =	stileid.u32  }
0x45: {  	s1 =	rddreg [dreg:$0x1];
	p0 =	sne.s32 s2, $0x0  }
0x46: {  	s3 =	rddreg [dreg:$0x2];
	[bflag:$0x3] =	sbarrier.arrive $0xFFFF;
	s2 =	simm.s32 @!p0 $0x1C01  }
0x47: {  	[timem:s3], [sflag:s2] =	dma.local @!p0 [hbm:s0], s1  }
0x48: {  	s0 =	simm.s32 @!p0 $0x1  }
0x49: {  	_ =	swait.ge @!p0 [sflag:s0], s1  }
0x4a: {  	s1 =	ssub.s32 @!p0 $0x0, s1;
	[sflag:s0] =	ssyncset.done @!p0 $0x0  }
0x4b: {  	[sflag:s0] =	ssyncadd.s32 @!p0 s1  }
0x4c: {  	[bflag:$0x3] =	sbarrier.arrive $0xFFFF  }
0x4d: {  	_ =	shalt  }

</sc_bundles>
